<compile_context>
chip_gen: v7x
topology: tpu7x:2x2x1
jax: 0.10.2.dev20260603
libtpu: 0.0.44.dev20260713+nightly
codegen_flags: <defaults>
</compile_context>

<pallas_src>
import functools

import jax
import jax.numpy as jnp
from jax import lax
from jax.experimental import pallas as pl
from jax.experimental.pallas import tpu as pltpu
from jax.experimental.pallas import tpu_sc as plsc

_G = 4
_NB = 8
_VP = 32


def _sc_scatter_kernel(ei_hbm, a_hbm, ei_v, a_v):
    cid = lax.axis_index("c")
    sid = lax.axis_index("s")

    @pl.when(jnp.logical_and(cid == 0, sid == 0))
    def _():
        pltpu.sync_copy(ei_hbm, ei_v)
        zeros = jnp.zeros((16,), jnp.float32)
        nflat = a_v.shape[0]
        for k in range(nflat // 16):
            a_v[pl.ds(k * 16, 16)] = zeros
        ones = jnp.ones((16,), jnp.float32)
        E = ei_v.shape[0] // 2
        for j in range(E // 16):
            row = ei_v[pl.ds(j * 16, 16)]
            col = ei_v[pl.ds(E + j * 16, 16)]
            idx = col * _VP + row
            plsc.store_scatter(a_v, [idx], ones)
        pltpu.sync_copy(a_v, a_hbm)


def _build_k_kernel(ad_ref, k_ref):
    GV = k_ref.shape[0]
    V = GV // _G
    Aind = ad_ref[...][:, 0:V]
    deg = jnp.sum(Aind, axis=1, keepdims=True) + 1.0
    dinv = lax.rsqrt(deg)
    outer = lax.dot_general(dinv, dinv, (((1,), (1,)), ((), ())),
                            preferred_element_type=jnp.float32)
    eye = (lax.broadcasted_iota(jnp.int32, (V, V), 0)
           == lax.broadcasted_iota(jnp.int32, (V, V), 1)).astype(jnp.float32)
    A = (Aind + eye) * outer
    p = lax.broadcasted_iota(jnp.int32, (GV, GV), 0)
    q = lax.broadcasted_iota(jnp.int32, (GV, GV), 1)
    same_block = ((p // V) == (q // V)).astype(jnp.float32)
    Pv = (lax.broadcasted_iota(jnp.int32, (GV, V), 0) % V
          == lax.broadcasted_iota(jnp.int32, (GV, V), 1)).astype(jnp.float32)
    t1 = lax.dot_general(Pv, A, (((1,), (1,)), ((), ())),
                         preferred_element_type=jnp.float32)
    at_big = lax.dot_general(t1, Pv, (((1,), (1,)), ((), ())),
                             preferred_element_type=jnp.float32)
    k_ref[...] = at_big * same_block


def _main_kernel(x_ref, w_ref, k_ref, b_ref, o_ref):
    NB, O, TG, GV = o_ref.shape
    K = k_ref[...]
    for b in range(NB):
        y = lax.dot_general(w_ref[...], x_ref[b], (((0,), (0,)), ((), ())),
                            preferred_element_type=jnp.float32)
        y3 = y.reshape(O, TG, GV) + jnp.zeros((1, 1, GV), jnp.float32)
        y2 = y3.reshape(O * TG, GV)
        u = lax.dot_general(y2, K, (((1,), (0,)), ((), ())),
                            preferred_element_type=jnp.float32)
        o_ref[b] = u.reshape(O, TG, GV) + b_ref[...].reshape(O, 1, 1)


def kernel(x, W, b, edge_index):
    n, c, t, v = x.shape
    o = W.shape[1]
    e = edge_index.shape[1]
    ei = edge_index.astype(jnp.int32)
    gv = _G * v
    tg = t // _G

    sc_scatter = functools.partial(
        pl.kernel,
        out_type=jax.ShapeDtypeStruct((v * _VP,), jnp.float32),
        mesh=plsc.VectorSubcoreMesh(core_axis_name="c", subcore_axis_name="s"),
        compiler_params=pltpu.CompilerParams(needs_layout_passes=False),
        scratch_types=[
            pltpu.VMEM((2 * e,), jnp.int32),
            pltpu.VMEM((v * _VP,), jnp.float32),
        ],
    )(_sc_scatter_kernel)
    a_flat = sc_scatter(ei.reshape(2 * e))
    ad = a_flat.reshape(v, _VP)

    K = pl.pallas_call(
        _build_k_kernel,
        out_shape=jax.ShapeDtypeStruct((gv, gv), jnp.float32),
    )(ad)

    b2 = b.reshape(o, 1)
    x2 = x.reshape(n, c, t * v)

    out = pl.pallas_call(
        _main_kernel,
        grid=(n // _NB,),
        in_specs=[
            pl.BlockSpec((_NB, c, t * v), lambda i: (i, 0, 0)),
            pl.BlockSpec((c, o), lambda i: (0, 0)),
            pl.BlockSpec((gv, gv), lambda i: (0, 0)),
            pl.BlockSpec((o, 1), lambda i: (0, 0)),
        ],
        out_specs=pl.BlockSpec((_NB, o, tg, gv), lambda i: (i, 0, 0, 0)),
        out_shape=jax.ShapeDtypeStruct((n, o, tg, gv), jnp.float32),
    )(x2, W, K, b2)
    return out.reshape(n, o, t, v)

# --- scband reference (transcript-rebuilt; emitter-appended) ---
"""Pipeline reference for scband-spatial-gcn-29386166239249 (READ-ONLY COPY).

The authoritative reference and input builder live on the scoring server;
editing this copy changes nothing except your own understanding.
"""

import jax, jax.numpy as jnp
import numpy as np

_FWD_SRC = [0,1,2,3,4,5,6,7,8,9,10,11,12,13,14,15,16,17,18,19,21,22,23,24]
_FWD_DST = [1,20,20,2,20,4,5,6,20,8,9,10,0,12,13,14,0,16,17,18,22,7,24,11]
EDGE_INDEX = np.array([_FWD_SRC + _FWD_DST, _FWD_DST + _FWD_SRC], dtype=np.int64)

IN_CH = 64
OUT_CH = 64
NUM_NODES = 25


def setup_inputs(seed: int = 0) -> dict:
    key = jax.random.key(seed)
    k1, k2 = jax.random.split(key, 2)
    x = jax.random.normal(k1, (64, IN_CH, 128, NUM_NODES), dtype=jnp.float32)
    W = jax.random.normal(k2, (IN_CH, OUT_CH), dtype=jnp.float32) * (1.0 / np.sqrt(IN_CH))
    b = jnp.zeros((OUT_CH,), dtype=jnp.float32)
    edge_index = jnp.asarray(EDGE_INDEX)
    return {"x": x, "W": W, "b": b, "edge_index": edge_index}


def _build_batched_edge_index(edge_index, num_graphs, num_nodes):
    E = edge_index.shape[1]
    offsets = jnp.arange(num_graphs, dtype=edge_index.dtype) * num_nodes
    offsets = jnp.repeat(offsets, E)
    ei = jnp.tile(edge_index, (1, num_graphs))
    return ei + offsets[None, :]


def _gcn_conv(x, edge_index, W, b, num_total):
    # x: [num_total, in_ch] -> linear transform first (GCNConv semantics)
    x = x @ W
    # add self loops
    loop = jnp.arange(num_total, dtype=edge_index.dtype)
    row = jnp.concatenate([edge_index[0], loop])
    col = jnp.concatenate([edge_index[1], loop])
    ones = jnp.ones(row.shape[0], dtype=x.dtype)
    deg = jnp.zeros((num_total,), dtype=x.dtype).at[col].add(ones)
    deg_inv_sqrt = jnp.where(deg > 0, jax.lax.rsqrt(jnp.maximum(deg, 1e-12)), 0.0)
    norm = deg_inv_sqrt[row] * deg_inv_sqrt[col]
    msg = x[row] * norm[:, None]
    out = jnp.zeros((num_total, x.shape[1]), dtype=x.dtype).at[col].add(msg)
    return out + b[None, :]


def reference(x, W, b, edge_index):
    n, c, t, v = x.shape
    xf = jnp.transpose(x, (0, 2, 3, 1)).reshape(n * t * v, c)
    bei = _build_batched_edge_index(edge_index, n * t, v)
    out = _gcn_conv(xf, bei, W, b, n * t * v)
    out = out.reshape(n, t, v, -1)
    out = jnp.transpose(out, (0, 3, 1, 2))
    return out

if __name__ == "__main__":
    import jax
    _d = setup_inputs()
    print(jax.jit(kernel)(*tuple(_d.values())))

</pallas_src>

<mosaic_0001>
#map = affine_map<(d0, d1) -> (0)>
module attributes {stable_mosaic.version = 14 : i64} {
  func.func @_sc_scatter_kernel(%arg0: i32, %arg1: i32, %arg2: memref<96xi32, #tpu.memory_space<hbm>>, %arg3: memref<800xf32, #tpu.memory_space<hbm>>, %arg4: memref<96xi32, #tpu.memory_space<vmem>>, %arg5: memref<800xf32, #tpu.memory_space<vmem>>) attributes {dimension_semantics = [#tpu.dimension_semantics<core_parallel>, #tpu.dimension_semantics<subcore_parallel>], iteration_bounds = array<i64: 2, 16>, scalar_prefetch = 0 : i64, scratch_operands = 2 : i64, tpu.core_type = #tpu.core_type<sc_vector_subcore>, window_params = [{transform_indices = #map}, {transform_indices = #map}]} {
    %eq3A = arith.constant 0 : i32
    %eq3A_0 = arith.cmpi eq, %arg0, %eq3A : i32
    %eq3A_1 = arith.constant 0 : i32
    %eq3A_2 = arith.cmpi eq, %arg1, %eq3A_1 : i32
    %and3A = arith.andi %eq3A_0, %eq3A_2 : i1
    %convert_element_type3A = arith.extui %and3A : i1 to i32
    %cond3A = arith.constant 0 : i32
    %cond3A_3 = arith.cmpi ne, %convert_element_type3A, %cond3A : i32
    scf.if %cond3A_3 {
      "tpu.region"() ({
        %run_scoped3A = tpu.sem_alloc : memref<!tpu.dma_semaphore, #tpu.memory_space<semaphore_mem>>
        tpu.enqueue_dma source(%arg2 : memref<96xi32, #tpu.memory_space<hbm>>) target(%arg4 : memref<96xi32, #tpu.memory_space<vmem>>) target_semaphore(%run_scoped3A : memref<!tpu.dma_semaphore, #tpu.memory_space<semaphore_mem>>)
        tpu.wait_dma2 semaphore(%run_scoped3A : memref<!tpu.dma_semaphore, #tpu.memory_space<semaphore_mem>>) src(%arg2 : memref<96xi32, #tpu.memory_space<hbm>>) dst(%arg4 : memref<96xi32, #tpu.memory_space<vmem>>)
        tpu.yield
      }) : () -> ()
      %broadcast_in_dim3A = arith.constant 0.000000e+00 : f32
      %broadcast_in_dim3A_4 = vector.broadcast %broadcast_in_dim3A : f32 to vector<16xf32>
      %swap3A = arith.constant 0 : index
      %swap3A_5 = tpu.vector_load %arg5[%swap3A] {strides = array<i32>} : memref<800xf32, #tpu.memory_space<vmem>>, vector<16xf32>,
      tpu.vector_store %arg5[%swap3A], %broadcast_in_dim3A_4 {strides = array<i32>} : memref<800xf32, #tpu.memory_space<vmem>>, vector<16xf32>,
      %swap3A_6 = arith.constant 16 : index
      %swap3A_7 = tpu.vector_load %arg5[%swap3A_6] {strides = array<i32>} : memref<800xf32, #tpu.memory_space<vmem>>, vector<16xf32>,
      tpu.vector_store %arg5[%swap3A_6], %broadcast_in_dim3A_4 {strides = array<i32>} : memref<800xf32, #tpu.memory_space<vmem>>, vector<16xf32>,
      %swap3A_8 = arith.constant 32 : index
      %swap3A_9 = tpu.vector_load %arg5[%swap3A_8] {strides = array<i32>} : memref<800xf32, #tpu.memory_space<vmem>>, vector<16xf32>,
      tpu.vector_store %arg5[%swap3A_8], %broadcast_in_dim3A_4 {strides = array<i32>} : memref<800xf32, #tpu.memory_space<vmem>>, vector<16xf32>,
      %swap3A_10 = arith.constant 48 : index
      %swap3A_11 = tpu.vector_load %arg5[%swap3A_10] {strides = array<i32>} : memref<800xf32, #tpu.memory_space<vmem>>, vector<16xf32>,
      tpu.vector_store %arg5[%swap3A_10], %broadcast_in_dim3A_4 {strides = array<i32>} : memref<800xf32, #tpu.memory_space<vmem>>, vector<16xf32>,
      %swap3A_12 = arith.constant 64 : index
      %swap3A_13 = tpu.vector_load %arg5[%swap3A_12] {strides = array<i32>} : memref<800xf32, #tpu.memory_space<vmem>>, vector<16xf32>,
      tpu.vector_store %arg5[%swap3A_12], %broadcast_in_dim3A_4 {strides = array<i32>} : memref<800xf32, #tpu.memory_space<vmem>>, vector<16xf32>,
      %swap3A_14 = arith.constant 80 : index
      %swap3A_15 = tpu.vector_load %arg5[%swap3A_14] {strides = array<i32>} : memref<800xf32, #tpu.memory_space<vmem>>, vector<16xf32>,
      tpu.vector_store %arg5[%swap3A_14], %broadcast_in_dim3A_4 {strides = array<i32>} : memref<800xf32, #tpu.memory_space<vmem>>, vector<16xf32>,
      %swap3A_16 = arith.constant 96 : index
      %swap3A_17 = tpu.vector_load %arg5[%swap3A_16] {strides = array<i32>} : memref<800xf32, #tpu.memory_space<vmem>>, vector<16xf32>,
      tpu.vector_store %arg5[%swap3A_16], %broadcast_in_dim3A_4 {strides = array<i32>} : memref<800xf32, #tpu.memory_space<vmem>>, vector<16xf32>,
      %swap3A_18 = arith.constant 112 : index
      %swap3A_19 = tpu.vector_load %arg5[%swap3A_18] {strides = array<i32>} : memref<800xf32, #tpu.memory_space<vmem>>, vector<16xf32>,
      tpu.vector_store %arg5[%swap3A_18], %broadcast_in_dim3A_4 {strides = array<i32>} : memref<800xf32, #tpu.memory_space<vmem>>, vector<16xf32>,
      %swap3A_20 = arith.constant 128 : index
      %swap3A_21 = tpu.vector_load %arg5[%swap3A_20] {strides = array<i32>} : memref<800xf32, #tpu.memory_space<vmem>>, vector<16xf32>,
      tpu.vector_store %arg5[%swap3A_20], %broadcast_in_dim3A_4 {strides = array<i32>} : memref<800xf32, #tpu.memory_space<vmem>>, vector<16xf32>,
      %swap3A_22 = arith.constant 144 : index
      %swap3A_23 = tpu.vector_load %arg5[%swap3A_22] {strides = array<i32>} : memref<800xf32, #tpu.memory_space<vmem>>, vector<16xf32>,
      tpu.vector_store %arg5[%swap3A_22], %broadcast_in_dim3A_4 {strides = array<i32>} : memref<800xf32, #tpu.memory_space<vmem>>, vector<16xf32>,
      %swap3A_24 = arith.constant 160 : index
      %swap3A_25 = tpu.vector_load %arg5[%swap3A_24] {strides = array<i32>} : memref<800xf32, #tpu.memory_space<vmem>>, vector<16xf32>,
      tpu.vector_store %arg5[%swap3A_24], %broadcast_in_dim3A_4 {strides = array<i32>} : memref<800xf32, #tpu.memory_space<vmem>>, vector<16xf32>,
      %swap3A_26 = arith.constant 176 : index
      %swap3A_27 = tpu.vector_load %arg5[%swap3A_26] {strides = array<i32>} : memref<800xf32, #tpu.memory_space<vmem>>, vector<16xf32>,
      tpu.vector_store %arg5[%swap3A_26], %broadcast_in_dim3A_4 {strides = array<i32>} : memref<800xf32, #tpu.memory_space<vmem>>, vector<16xf32>,
      %swap3A_28 = arith.constant 192 : index
      %swap3A_29 = tpu.vector_load %arg5[%swap3A_28] {strides = array<i32>} : memref<800xf32, #tpu.memory_space<vmem>>, vector<16xf32>,
      tpu.vector_store %arg5[%swap3A_28], %broadcast_in_dim3A_4 {strides = array<i32>} : memref<800xf32, #tpu.memory_space<vmem>>, vector<16xf32>,
      %swap3A_30 = arith.constant 208 : index
      %swap3A_31 = tpu.vector_load %arg5[%swap3A_30] {strides = array<i32>} : memref<800xf32, #tpu.memory_space<vmem>>, vector<16xf32>,
      tpu.vector_store %arg5[%swap3A_30], %broadcast_in_dim3A_4 {strides = array<i32>} : memref<800xf32, #tpu.memory_space<vmem>>, vector<16xf32>,
      %swap3A_32 = arith.constant 224 : index
      %swap3A_33 = tpu.vector_load %arg5[%swap3A_32] {strides = array<i32>} : memref<800xf32, #tpu.memory_space<vmem>>, vector<16xf32>,
      tpu.vector_store %arg5[%swap3A_32], %broadcast_in_dim3A_4 {strides = array<i32>} : memref<800xf32, #tpu.memory_space<vmem>>, vector<16xf32>,
      %swap3A_34 = arith.constant 240 : index
      %swap3A_35 = tpu.vector_load %arg5[%swap3A_34] {strides = array<i32>} : memref<800xf32, #tpu.memory_space<vmem>>, vector<16xf32>,
      tpu.vector_store %arg5[%swap3A_34], %broadcast_in_dim3A_4 {strides = array<i32>} : memref<800xf32, #tpu.memory_space<vmem>>, vector<16xf32>,
      %swap3A_36 = arith.constant 256 : index
      %swap3A_37 = tpu.vector_load %arg5[%swap3A_36] {strides = array<i32>} : memref<800xf32, #tpu.memory_space<vmem>>, vector<16xf32>,
      tpu.vector_store %arg5[%swap3A_36], %broadcast_in_dim3A_4 {strides = array<i32>} : memref<800xf32, #tpu.memory_space<vmem>>, vector<16xf32>,
      %swap3A_38 = arith.constant 272 : index
      %swap3A_39 = tpu.vector_load %arg5[%swap3A_38] {strides = array<i32>} : memref<800xf32, #tpu.memory_space<vmem>>, vector<16xf32>,
      tpu.vector_store %arg5[%swap3A_38], %broadcast_in_dim3A_4 {strides = array<i32>} : memref<800xf32, #tpu.memory_space<vmem>>, vector<16xf32>,
      %swap3A_40 = arith.constant 288 : index
      %swap3A_41 = tpu.vector_load %arg5[%swap3A_40] {strides = array<i32>} : memref<800xf32, #tpu.memory_space<vmem>>, vector<16xf32>,
      tpu.vector_store %arg5[%swap3A_40], %broadcast_in_dim3A_4 {strides = array<i32>} : memref<800xf32, #tpu.memory_space<vmem>>, vector<16xf32>,
      %swap3A_42 = arith.constant 304 : index
      %swap3A_43 = tpu.vector_load %arg5[%swap3A_42] {strides = array<i32>} : memref<800xf32, #tpu.memory_space<vmem>>, vector<16xf32>,
      tpu.vector_store %arg5[%swap3A_42], %broadcast_in_dim3A_4 {strides = array<i32>} : memref<800xf32, #tpu.memory_space<vmem>>, vector<16xf32>,
      %swap3A_44 = arith.constant 320 : index
      %swap3A_45 = tpu.vector_load %arg5[%swap3A_44] {strides = array<i32>} : memref<800xf32, #tpu.memory_space<vmem>>, vector<16xf32>,
      tpu.vector_store %arg5[%swap3A_44], %broadcast_in_dim3A_4 {strides = array<i32>} : memref<800xf32, #tpu.memory_space<vmem>>, vector<16xf32>,
      %swap3A_46 = arith.constant 336 : index
      %swap3A_47 = tpu.vector_load %arg5[%swap3A_46] {strides = array<i32>} : memref<800xf32, #tpu.memory_space<vmem>>, vector<16xf32>,
      tpu.vector_store %arg5[%swap3A_46], %broadcast_in_dim3A_4 {strides = array<i32>} : memref<800xf32, #tpu.memory_space<vmem>>, vector<16xf32>,
      %swap3A_48 = arith.constant 352 : index
      %swap3A_49 = tpu.vector_load %arg5[%swap3A_48] {strides = array<i32>} : memref<800xf32, #tpu.memory_space<vmem>>, vector<16xf32>,
      tpu.vector_store %arg5[%swap3A_48], %broadcast_in_dim3A_4 {strides = array<i32>} : memref<800xf32, #tpu.memory_space<vmem>>, vector<16xf32>,
      %swap3A_50 = arith.constant 368 : index
      %swap3A_51 = tpu.vector_load %arg5[%swap3A_50] {strides = array<i32>} : memref<800xf32, #tpu.memory_space<vmem>>, vector<16xf32>,
      tpu.vector_store %arg5[%swap3A_50], %broadcast_in_dim3A_4 {strides = array<i32>} : memref<800xf32, #tpu.memory_space<vmem>>, vector<16xf32>,
      %swap3A_52 = arith.constant 384 : index
      %swap3A_53 = tpu.vector_load %arg5[%swap3A_52] {strides = array<i32>} : memref<800xf32, #tpu.memory_space<vmem>>, vector<16xf32>,
      tpu.vector_store %arg5[%swap3A_52], %broadcast_in_dim3A_4 {strides = array<i32>} : memref<800xf32, #tpu.memory_space<vmem>>, vector<16xf32>,
      %swap3A_54 = arith.constant 400 : index
      %swap3A_55 = tpu.vector_load %arg5[%swap3A_54] {strides = array<i32>} : memref<800xf32, #tpu.memory_space<vmem>>, vector<16xf32>,
      tpu.vector_store %arg5[%swap3A_54], %broadcast_in_dim3A_4 {strides = array<i32>} : memref<800xf32, #tpu.memory_space<vmem>>, vector<16xf32>,
      %swap3A_56 = arith.constant 416 : index
      %swap3A_57 = tpu.vector_load %arg5[%swap3A_56] {strides = array<i32>} : memref<800xf32, #tpu.memory_space<vmem>>, vector<16xf32>,
      tpu.vector_store %arg5[%swap3A_56], %broadcast_in_dim3A_4 {strides = array<i32>} : memref<800xf32, #tpu.memory_space<vmem>>, vector<16xf32>,
      %swap3A_58 = arith.constant 432 : index
      %swap3A_59 = tpu.vector_load %arg5[%swap3A_58] {strides = array<i32>} : memref<800xf32, #tpu.memory_space<vmem>>, vector<16xf32>,
      tpu.vector_store %arg5[%swap3A_58], %broadcast_in_dim3A_4 {strides = array<i32>} : memref<800xf32, #tpu.memory_space<vmem>>, vector<16xf32>,
      %swap3A_60 = arith.constant 448 : index
      %swap3A_61 = tpu.vector_load %arg5[%swap3A_60] {strides = array<i32>} : memref<800xf32, #tpu.memory_space<vmem>>, vector<16xf32>,
      tpu.vector_store %arg5[%swap3A_60], %broadcast_in_dim3A_4 {strides = array<i32>} : memref<800xf32, #tpu.memory_space<vmem>>, vector<16xf32>,
      %swap3A_62 = arith.constant 464 : index
      %swap3A_63 = tpu.vector_load %arg5[%swap3A_62] {strides = array<i32>} : memref<800xf32, #tpu.memory_space<vmem>>, vector<16xf32>,
      tpu.vector_store %arg5[%swap3A_62], %broadcast_in_dim3A_4 {strides = array<i32>} : memref<800xf32, #tpu.memory_space<vmem>>, vector<16xf32>,
      %swap3A_64 = arith.constant 480 : index
      %swap3A_65 = tpu.vector_load %arg5[%swap3A_64] {strides = array<i32>} : memref<800xf32, #tpu.memory_space<vmem>>, vector<16xf32>,
      tpu.vector_store %arg5[%swap3A_64], %broadcast_in_dim3A_4 {strides = array<i32>} : memref<800xf32, #tpu.memory_space<vmem>>, vector<16xf32>,
      %swap3A_66 = arith.constant 496 : index
      %swap3A_67 = tpu.vector_load %arg5[%swap3A_66] {strides = array<i32>} : memref<800xf32, #tpu.memory_space<vmem>>, vector<16xf32>,
      tpu.vector_store %arg5[%swap3A_66], %broadcast_in_dim3A_4 {strides = array<i32>} : memref<800xf32, #tpu.memory_space<vmem>>, vector<16xf32>,
      %swap3A_68 = arith.constant 512 : index
      %swap3A_69 = tpu.vector_load %arg5[%swap3A_68] {strides = array<i32>} : memref<800xf32, #tpu.memory_space<vmem>>, vector<16xf32>,
      tpu.vector_store %arg5[%swap3A_68], %broadcast_in_dim3A_4 {strides = array<i32>} : memref<800xf32, #tpu.memory_space<vmem>>, vector<16xf32>,
      %swap3A_70 = arith.constant 528 : index
      %swap3A_71 = tpu.vector_load %arg5[%swap3A_70] {strides = array<i32>} : memref<800xf32, #tpu.memory_space<vmem>>, vector<16xf32>,
      tpu.vector_store %arg5[%swap3A_70], %broadcast_in_dim3A_4 {strides = array<i32>} : memref<800xf32, #tpu.memory_space<vmem>>, vector<16xf32>,
      %swap3A_72 = arith.constant 544 : index
      %swap3A_73 = tpu.vector_load %arg5[%swap3A_72] {strides = array<i32>} : memref<800xf32, #tpu.memory_space<vmem>>, vector<16xf32>,
      tpu.vector_store %arg5[%swap3A_72], %broadcast_in_dim3A_4 {strides = array<i32>} : memref<800xf32, #tpu.memory_space<vmem>>, vector<16xf32>,
      %swap3A_74 = arith.constant 560 : index
      %swap3A_75 = tpu.vector_load %arg5[%swap3A_74] {strides = array<i32>} : memref<800xf32, #tpu.memory_space<vmem>>, vector<16xf32>,
      tpu.vector_store %arg5[%swap3A_74], %broadcast_in_dim3A_4 {strides = array<i32>} : memref<800xf32, #tpu.memory_space<vmem>>, vector<16xf32>,
      %swap3A_76 = arith.constant 576 : index
      %swap3A_77 = tpu.vector_load %arg5[%swap3A_76] {strides = array<i32>} : memref<800xf32, #tpu.memory_space<vmem>>, vector<16xf32>,
      tpu.vector_store %arg5[%swap3A_76], %broadcast_in_dim3A_4 {strides = array<i32>} : memref<800xf32, #tpu.memory_space<vmem>>, vector<16xf32>,
      %swap3A_78 = arith.constant 592 : index
      %swap3A_79 = tpu.vector_load %arg5[%swap3A_78] {strides = array<i32>} : memref<800xf32, #tpu.memory_space<vmem>>, vector<16xf32>,
      tpu.vector_store %arg5[%swap3A_78], %broadcast_in_dim3A_4 {strides = array<i32>} : memref<800xf32, #tpu.memory_space<vmem>>, vector<16xf32>,
      %swap3A_80 = arith.constant 608 : index
      %swap3A_81 = tpu.vector_load %arg5[%swap3A_80] {strides = array<i32>} : memref<800xf32, #tpu.memory_space<vmem>>, vector<16xf32>,
      tpu.vector_store %arg5[%swap3A_80], %broadcast_in_dim3A_4 {strides = array<i32>} : memref<800xf32, #tpu.memory_space<vmem>>, vector<16xf32>,
      %swap3A_82 = arith.constant 624 : index
      %swap3A_83 = tpu.vector_load %arg5[%swap3A_82] {strides = array<i32>} : memref<800xf32, #tpu.memory_space<vmem>>, vector<16xf32>,
      tpu.vector_store %arg5[%swap3A_82], %broadcast_in_dim3A_4 {strides = array<i32>} : memref<800xf32, #tpu.memory_space<vmem>>, vector<16xf32>,
      %swap3A_84 = arith.constant 640 : index
      %swap3A_85 = tpu.vector_load %arg5[%swap3A_84] {strides = array<i32>} : memref<800xf32, #tpu.memory_space<vmem>>, vector<16xf32>,
      tpu.vector_store %arg5[%swap3A_84], %broadcast_in_dim3A_4 {strides = array<i32>} : memref<800xf32, #tpu.memory_space<vmem>>, vector<16xf32>,
      %swap3A_86 = arith.constant 656 : index
      %swap3A_87 = tpu.vector_load %arg5[%swap3A_86] {strides = array<i32>} : memref<800xf32, #tpu.memory_space<vmem>>, vector<16xf32>,
      tpu.vector_store %arg5[%swap3A_86], %broadcast_in_dim3A_4 {strides = array<i32>} : memref<800xf32, #tpu.memory_space<vmem>>, vector<16xf32>,
      %swap3A_88 = arith.constant 672 : index
      %swap3A_89 = tpu.vector_load %arg5[%swap3A_88] {strides = array<i32>} : memref<800xf32, #tpu.memory_space<vmem>>, vector<16xf32>,
      tpu.vector_store %arg5[%swap3A_88], %broadcast_in_dim3A_4 {strides = array<i32>} : memref<800xf32, #tpu.memory_space<vmem>>, vector<16xf32>,
      %swap3A_90 = arith.constant 688 : index
      %swap3A_91 = tpu.vector_load %arg5[%swap3A_90] {strides = array<i32>} : memref<800xf32, #tpu.memory_space<vmem>>, vector<16xf32>,
      tpu.vector_store %arg5[%swap3A_90], %broadcast_in_dim3A_4 {strides = array<i32>} : memref<800xf32, #tpu.memory_space<vmem>>, vector<16xf32>,
      %swap3A_92 = arith.constant 704 : index
      %swap3A_93 = tpu.vector_load %arg5[%swap3A_92] {strides = array<i32>} : memref<800xf32, #tpu.memory_space<vmem>>, vector<16xf32>,
      tpu.vector_store %arg5[%swap3A_92], %broadcast_in_dim3A_4 {strides = array<i32>} : memref<800xf32, #tpu.memory_space<vmem>>, vector<16xf32>,
      %swap3A_94 = arith.constant 720 : index
      %swap3A_95 = tpu.vector_load %arg5[%swap3A_94] {strides = array<i32>} : memref<800xf32, #tpu.memory_space<vmem>>, vector<16xf32>,
      tpu.vector_store %arg5[%swap3A_94], %broadcast_in_dim3A_4 {strides = array<i32>} : memref<800xf32, #tpu.memory_space<vmem>>, vector<16xf32>,
      %swap3A_96 = arith.constant 736 : index
      %swap3A_97 = tpu.vector_load %arg5[%swap3A_96] {strides = array<i32>} : memref<800xf32, #tpu.memory_space<vmem>>, vector<16xf32>,
      tpu.vector_store %arg5[%swap3A_96], %broadcast_in_dim3A_4 {strides = array<i32>} : memref<800xf32, #tpu.memory_space<vmem>>, vector<16xf32>,
      %swap3A_98 = arith.constant 752 : index
      %swap3A_99 = tpu.vector_load %arg5[%swap3A_98] {strides = array<i32>} : memref<800xf32, #tpu.memory_space<vmem>>, vector<16xf32>,
      tpu.vector_store %arg5[%swap3A_98], %broadcast_in_dim3A_4 {strides = array<i32>} : memref<800xf32, #tpu.memory_space<vmem>>, vector<16xf32>,
      %swap3A_100 = arith.constant 768 : index
      %swap3A_101 = tpu.vector_load %arg5[%swap3A_100] {strides = array<i32>} : memref<800xf32, #tpu.memory_space<vmem>>, vector<16xf32>,
      tpu.vector_store %arg5[%swap3A_100], %broadcast_in_dim3A_4 {strides = array<i32>} : memref<800xf32, #tpu.memory_space<vmem>>, vector<16xf32>,
      %swap3A_102 = arith.constant 784 : index
      %swap3A_103 = tpu.vector_load %arg5[%swap3A_102] {strides = array<i32>} : memref<800xf32, #tpu.memory_space<vmem>>, vector<16xf32>,
      tpu.vector_store %arg5[%swap3A_102], %broadcast_in_dim3A_4 {strides = array<i32>} : memref<800xf32, #tpu.memory_space<vmem>>, vector<16xf32>,
      %broadcast_in_dim3A_104 = arith.constant 1.000000e+00 : f32
      %broadcast_in_dim3A_105 = vector.broadcast %broadcast_in_dim3A_104 : f32 to vector<16xf32>
      %get3A = arith.constant 0 : index
      %get3A_106 = tpu.vector_load %arg4[%get3A] {strides = array<i32>} : memref<96xi32, #tpu.memory_space<vmem>>, vector<16xi32>,
      %get3A_107 = arith.constant 48 : index
      %get3A_108 = tpu.vector_load %arg4[%get3A_107] {strides = array<i32>} : memref<96xi32, #tpu.memory_space<vmem>>, vector<16xi32>,
      %mul3A = arith.constant 32 : i32
      %mul3A_109 = vector.broadcast %mul3A : i32 to vector<16xi32>
      %mul3A_110 = arith.muli %get3A_108, %mul3A_109 : vector<16xi32>
      %add3A = arith.addi %mul3A_110, %get3A_106 : vector<16xi32>
      tpu.vector_store_idx %arg5[%add3A], %broadcast_in_dim3A_105 : memref<800xf32, #tpu.memory_space<vmem>>[vector<16xi32>], vector<16xf32>,
      %get3A_111 = arith.constant 16 : index
      %get3A_112 = tpu.vector_load %arg4[%get3A_111] {strides = array<i32>} : memref<96xi32, #tpu.memory_space<vmem>>, vector<16xi32>,
      %get3A_113 = arith.constant 64 : index
      %get3A_114 = tpu.vector_load %arg4[%get3A_113] {strides = array<i32>} : memref<96xi32, #tpu.memory_space<vmem>>, vector<16xi32>,
      %mul3A_115 = arith.constant 32 : i32
      %mul3A_116 = vector.broadcast %mul3A_115 : i32 to vector<16xi32>
      %mul3A_117 = arith.muli %get3A_114, %mul3A_116 : vector<16xi32>
      %add3A_118 = arith.addi %mul3A_117, %get3A_112 : vector<16xi32>
      tpu.vector_store_idx %arg5[%add3A_118], %broadcast_in_dim3A_105 : memref<800xf32, #tpu.memory_space<vmem>>[vector<16xi32>], vector<16xf32>,
      %get3A_119 = arith.constant 32 : index
      %get3A_120 = tpu.vector_load %arg4[%get3A_119] {strides = array<i32>} : memref<96xi32, #tpu.memory_space<vmem>>, vector<16xi32>,
      %get3A_121 = arith.constant 80 : index
      %get3A_122 = tpu.vector_load %arg4[%get3A_121] {strides = array<i32>} : memref<96xi32, #tpu.memory_space<vmem>>, vector<16xi32>,
      %mul3A_123 = arith.constant 32 : i32
      %mul3A_124 = vector.broadcast %mul3A_123 : i32 to vector<16xi32>
      %mul3A_125 = arith.muli %get3A_122, %mul3A_124 : vector<16xi32>
      %add3A_126 = arith.addi %mul3A_125, %get3A_120 : vector<16xi32>
      tpu.vector_store_idx %arg5[%add3A_126], %broadcast_in_dim3A_105 : memref<800xf32, #tpu.memory_space<vmem>>[vector<16xi32>], vector<16xf32>,
      "tpu.region"() ({
        %run_scoped3A = tpu.sem_alloc : memref<!tpu.dma_semaphore, #tpu.memory_space<semaphore_mem>>
        tpu.enqueue_dma source(%arg5 : memref<800xf32, #tpu.memory_space<vmem>>) target(%arg3 : memref<800xf32, #tpu.memory_space<hbm>>) target_semaphore(%run_scoped3A : memref<!tpu.dma_semaphore, #tpu.memory_space<semaphore_mem>>)
        tpu.wait_dma2 semaphore(%run_scoped3A : memref<!tpu.dma_semaphore, #tpu.memory_space<semaphore_mem>>) src(%arg5 : memref<800xf32, #tpu.memory_space<vmem>>) dst(%arg3 : memref<800xf32, #tpu.memory_space<hbm>>)
        tpu.yield
      }) : () -> ()
    } else {
    }
    return
  }
}

module attributes {stable_mosaic.version = 14 : i64} {
  func.func @_main_kernel(%arg0: i32, %arg1: memref<8x64x3200xf32, #tpu.memory_space<vmem>>, %arg2: memref<64x64xf32, #tpu.memory_space<vmem>>, %arg3: memref<100x100xf32, #tpu.memory_space<vmem>>, %arg4: memref<64x1xf32, #tpu.memory_space<vmem>>, %arg5: memref<8x64x32x100xf32, #tpu.memory_space<vmem>>) attributes {dimension_semantics = [#tpu.dimension_semantics<arbitrary>], iteration_bounds = array<i64: 8>, scalar_prefetch = 0 : i64, scratch_operands = 0 : i64, tpu.core_type = #tpu.core_type<tc>, window_params = [{transform_indices = @transform_0, window_bounds = array<i64: 8, 64, 3200>}, {pipeline_mode = #tpu.pipeline_mode<synchronous>, transform_indices = @transform_1, window_bounds = array<i64: 64, 64>}, {pipeline_mode = #tpu.pipeline_mode<synchronous>, transform_indices = @transform_2, window_bounds = array<i64: 100, 100>}, {pipeline_mode = #tpu.pipeline_mode<synchronous>, transform_indices = @transform_3, window_bounds = array<i64: 64, 1>}, {transform_indices = @transform_4, window_bounds = array<i64: 8, 64, 32, 100>}]} {
    %get3A = arith.constant 0 : index
    %get3A_0 = arith.constant 0 : index
    %get3A_1 = vector.load %arg3[%get3A, %get3A_0] : memref<100x100xf32, #tpu.memory_space<vmem>>, vector<100x100xf32>
    %get3A_2 = arith.constant 0 : index
    %get3A_3 = arith.constant 0 : index
    %get3A_4 = vector.load %arg2[%get3A_2, %get3A_3] : memref<64x64xf32, #tpu.memory_space<vmem>>, vector<64x64xf32>
    %get3A_5 = arith.constant 0 : index
    %get3A_6 = arith.constant 0 : index
    %get3A_7 = arith.constant 0 : index
    %get3A_8 = vector.load %arg1[%get3A_5, %get3A_6, %get3A_7] : memref<8x64x3200xf32, #tpu.memory_space<vmem>>, vector<1x64x3200xf32>
    %get3A_9 = vector.shape_cast %get3A_8 : vector<1x64x3200xf32> to vector<64x3200xf32>
    %dot_general3A = arith.constant dense<0.000000e+00> : vector<64x3200xf32>
    %dot_general3A_10 = tpu.matmul %get3A_4, %get3A_9, %dot_general3A {dimension_numbers = #tpu.dot_dimension_numbers<[0], [0], [1], [1], [0, 1, 1, 1], [], []>, transpose_lhs_hint = false} : vector<64x64xf32>, vector<64x3200xf32>, vector<64x3200xf32> -> vector<64x3200xf32>
    %reshape3A = vector.shape_cast %dot_general3A_10 : vector<64x3200xf32> to vector<64x32x100xf32>
    %broadcast_in_dim3A = arith.constant 0.000000e+00 : f32
    %broadcast_in_dim3A_11 = vector.broadcast %broadcast_in_dim3A : f32 to vector<1x1x100xf32>
    %add3A = vector.broadcast %broadcast_in_dim3A_11 : vector<1x1x100xf32> to vector<64x32x100xf32>
    %add3A_12 = arith.addf %reshape3A, %add3A : vector<64x32x100xf32>
    %reshape3A_13 = vector.shape_cast %add3A_12 : vector<64x32x100xf32> to vector<2048x100xf32>
    %dot_general3A_14 = arith.constant dense<0.000000e+00> : vector<2048x100xf32>
    %dot_general3A_15 = tpu.matmul %reshape3A_13, %get3A_1, %dot_general3A_14 {dimension_numbers = #tpu.dot_dimension_numbers<[1], [0], [0], [1], [0, 0, 1, 1], [], []>, transpose_lhs_hint = false} : vector<2048x100xf32>, vector<100x100xf32>, vector<2048x100xf32> -> vector<2048x100xf32>
    %reshape3A_16 = vector.shape_cast %dot_general3A_15 : vector<2048x100xf32> to vector<64x32x100xf32>
    %get3A_17 = arith.constant 0 : index
    %get3A_18 = arith.constant 0 : index
    %get3A_19 = vector.load %arg4[%get3A_17, %get3A_18] : memref<64x1xf32, #tpu.memory_space<vmem>>, vector<64x1xf32>
    %reshape3A_20 = vector.shape_cast %get3A_19 : vector<64x1xf32> to vector<64x1x1xf32>
    %add3A_21 = vector.broadcast %reshape3A_20 : vector<64x1x1xf32> to vector<64x32x100xf32>
    %add3A_22 = arith.addf %reshape3A_16, %add3A_21 : vector<64x32x100xf32>
    %swap3A = arith.constant 0 : index
    %swap3A_23 = arith.constant 0 : index
    %swap3A_24 = arith.constant 0 : index
    %swap3A_25 = arith.constant 0 : index
    %swap3A_26 = vector.load %arg5[%swap3A, %swap3A_23, %swap3A_24, %swap3A_25] : memref<8x64x32x100xf32, #tpu.memory_space<vmem>>, vector<1x64x32x100xf32>
    %swap3A_27 = vector.shape_cast %swap3A_26 : vector<1x64x32x100xf32> to vector<64x32x100xf32>
    %swap3A_28 = vector.shape_cast %add3A_22 : vector<64x32x100xf32> to vector<1x64x32x100xf32>
    tpu.vector_store %arg5[%swap3A, %swap3A_23, %swap3A_24, %swap3A_25], %swap3A_28 {strides = array<i32>} : memref<8x64x32x100xf32, #tpu.memory_space<vmem>>, vector<1x64x32x100xf32>,
    %get3A_29 = arith.constant 0 : index
    %get3A_30 = arith.constant 0 : index
    %get3A_31 = vector.load %arg2[%get3A_29, %get3A_30] : memref<64x64xf32, #tpu.memory_space<vmem>>, vector<64x64xf32>
    %get3A_32 = arith.constant 1 : index
    %get3A_33 = arith.constant 0 : index
    %get3A_34 = arith.constant 0 : index
    %get3A_35 = vector.load %arg1[%get3A_32, %get3A_33, %get3A_34] : memref<8x64x3200xf32, #tpu.memory_space<vmem>>, vector<1x64x3200xf32>
    %get3A_36 = vector.shape_cast %get3A_35 : vector<1x64x3200xf32> to vector<64x3200xf32>
    %dot_general3A_37 = arith.constant dense<0.000000e+00> : vector<64x3200xf32>
    %dot_general3A_38 = tpu.matmul %get3A_31, %get3A_36, %dot_general3A_37 {dimension_numbers = #tpu.dot_dimension_numbers<[0], [0], [1], [1], [0, 1, 1, 1], [], []>, transpose_lhs_hint = false} : vector<64x64xf32>, vector<64x3200xf32>, vector<64x3200xf32> -> vector<64x3200xf32>
    %reshape3A_39 = vector.shape_cast %dot_general3A_38 : vector<64x3200xf32> to vector<64x32x100xf32>
    %broadcast_in_dim3A_40 = arith.constant 0.000000e+00 : f32
    %broadcast_in_dim3A_41 = vector.broadcast %broadcast_in_dim3A_40 : f32 to vector<1x1x100xf32>
    %add3A_42 = vector.broadcast %broadcast_in_dim3A_41 : vector<1x1x100xf32> to vector<64x32x100xf32>
    %add3A_43 = arith.addf %reshape3A_39, %add3A_42 : vector<64x32x100xf32>
    %reshape3A_44 = vector.shape_cast %add3A_43 : vector<64x32x100xf32> to vector<2048x100xf32>
    %dot_general3A_45 = arith.constant dense<0.000000e+00> : vector<2048x100xf32>
    %dot_general3A_46 = tpu.matmul %reshape3A_44, %get3A_1, %dot_general3A_45 {dimension_numbers = #tpu.dot_dimension_numbers<[1], [0], [0], [1], [0, 0, 1, 1], [], []>, transpose_lhs_hint = false} : vector<2048x100xf32>, vector<100x100xf32>, vector<2048x100xf32> -> vector<2048x100xf32>
    %reshape3A_47 = vector.shape_cast %dot_general3A_46 : vector<2048x100xf32> to vector<64x32x100xf32>
    %get3A_48 = arith.constant 0 : index
    %get3A_49 = arith.constant 0 : index
    %get3A_50 = vector.load %arg4[%get3A_48, %get3A_49] : memref<64x1xf32, #tpu.memory_space<vmem>>, vector<64x1xf32>
    %reshape3A_51 = vector.shape_cast %get3A_50 : vector<64x1xf32> to vector<64x1x1xf32>
    %add3A_52 = vector.broadcast %reshape3A_51 : vector<64x1x1xf32> to vector<64x32x100xf32>
    %add3A_53 = arith.addf %reshape3A_47, %add3A_52 : vector<64x32x100xf32>
    %swap3A_54 = arith.constant 1 : index
    %swap3A_55 = arith.constant 0 : index
    %swap3A_56 = arith.constant 0 : index
    %swap3A_57 = arith.constant 0 : index
    %swap3A_58 = vector.load %arg5[%swap3A_54, %swap3A_55, %swap3A_56, %swap3A_57] : memref<8x64x32x100xf32, #tpu.memory_space<vmem>>, vector<1x64x32x100xf32>
    %swap3A_59 = vector.shape_cast %swap3A_58 : vector<1x64x32x100xf32> to vector<64x32x100xf32>
    %swap3A_60 = vector.shape_cast %add3A_53 : vector<64x32x100xf32> to vector<1x64x32x100xf32>
    tpu.vector_store %arg5[%swap3A_54, %swap3A_55, %swap3A_56, %swap3A_57], %swap3A_60 {strides = array<i32>} : memref<8x64x32x100xf32, #tpu.memory_space<vmem>>, vector<1x64x32x100xf32>,
    %get3A_61 = arith.constant 0 : index
    %get3A_62 = arith.constant 0 : index
    %get3A_63 = vector.load %arg2[%get3A_61, %get3A_62] : memref<64x64xf32, #tpu.memory_space<vmem>>, vector<64x64xf32>
    %get3A_64 = arith.constant 2 : index
    %get3A_65 = arith.constant 0 : index
    %get3A_66 = arith.constant 0 : index
    %get3A_67 = vector.load %arg1[%get3A_64, %get3A_65, %get3A_66] : memref<8x64x3200xf32, #tpu.memory_space<vmem>>, vector<1x64x3200xf32>
    %get3A_68 = vector.shape_cast %get3A_67 : vector<1x64x3200xf32> to vector<64x3200xf32>
    %dot_general3A_69 = arith.constant dense<0.000000e+00> : vector<64x3200xf32>
    %dot_general3A_70 = tpu.matmul %get3A_63, %get3A_68, %dot_general3A_69 {dimension_numbers = #tpu.dot_dimension_numbers<[0], [0], [1], [1], [0, 1, 1, 1], [], []>, transpose_lhs_hint = false} : vector<64x64xf32>, vector<64x3200xf32>, vector<64x3200xf32> -> vector<64x3200xf32>
    %reshape3A_71 = vector.shape_cast %dot_general3A_70 : vector<64x3200xf32> to vector<64x32x100xf32>
    %broadcast_in_dim3A_72 = arith.constant 0.000000e+00 : f32
    %broadcast_in_dim3A_73 = vector.broadcast %broadcast_in_dim3A_72 : f32 to vector<1x1x100xf32>
    %add3A_74 = vector.broadcast %broadcast_in_dim3A_73 : vector<1x1x100xf32> to vector<64x32x100xf32>
    %add3A_75 = arith.addf %reshape3A_71, %add3A_74 : vector<64x32x100xf32>
    %reshape3A_76 = vector.shape_cast %add3A_75 : vector<64x32x100xf32> to vector<2048x100xf32>
    %dot_general3A_77 = arith.constant dense<0.000000e+00> : vector<2048x100xf32>
    %dot_general3A_78 = tpu.matmul %reshape3A_76, %get3A_1, %dot_general3A_77 {dimension_numbers = #tpu.dot_dimension_numbers<[1], [0], [0], [1], [0, 0, 1, 1], [], []>, transpose_lhs_hint = false} : vector<2048x100xf32>, vector<100x100xf32>, vector<2048x100xf32> -> vector<2048x100xf32>
    %reshape3A_79 = vector.shape_cast %dot_general3A_78 : vector<2048x100xf32> to vector<64x32x100xf32>
    %get3A_80 = arith.constant 0 : index
    %get3A_81 = arith.constant 0 : index
    %get3A_82 = vector.load %arg4[%get3A_80, %get3A_81] : memref<64x1xf32, #tpu.memory_space<vmem>>, vector<64x1xf32>
    %reshape3A_83 = vector.shape_cast %get3A_82 : vector<64x1xf32> to vector<64x1x1xf32>
    %add3A_84 = vector.broadcast %reshape3A_83 : vector<64x1x1xf32> to vector<64x32x100xf32>
    %add3A_85 = arith.addf %reshape3A_79, %add3A_84 : vector<64x32x100xf32>
    %swap3A_86 = arith.constant 2 : index
    %swap3A_87 = arith.constant 0 : index
    %swap3A_88 = arith.constant 0 : index
    %swap3A_89 = arith.constant 0 : index
    %swap3A_90 = vector.load %arg5[%swap3A_86, %swap3A_87, %swap3A_88, %swap3A_89] : memref<8x64x32x100xf32, #tpu.memory_space<vmem>>, vector<1x64x32x100xf32>
    %swap3A_91 = vector.shape_cast %swap3A_90 : vector<1x64x32x100xf32> to vector<64x32x100xf32>
    %swap3A_92 = vector.shape_cast %add3A_85 : vector<64x32x100xf32> to vector<1x64x32x100xf32>
    tpu.vector_store %arg5[%swap3A_86, %swap3A_87, %swap3A_88, %swap3A_89], %swap3A_92 {strides = array<i32>} : memref<8x64x32x100xf32, #tpu.memory_space<vmem>>, vector<1x64x32x100xf32>,
    %get3A_93 = arith.constant 0 : index
    %get3A_94 = arith.constant 0 : index
    %get3A_95 = vector.load %arg2[%get3A_93, %get3A_94] : memref<64x64xf32, #tpu.memory_space<vmem>>, vector<64x64xf32>
    %get3A_96 = arith.constant 3 : index
    %get3A_97 = arith.constant 0 : index
    %get3A_98 = arith.constant 0 : index
    %get3A_99 = vector.load %arg1[%get3A_96, %get3A_97, %get3A_98] : memref<8x64x3200xf32, #tpu.memory_space<vmem>>, vector<1x64x3200xf32>
    %get3A_100 = vector.shape_cast %get3A_99 : vector<1x64x3200xf32> to vector<64x3200xf32>
    %dot_general3A_101 = arith.constant dense<0.000000e+00> : vector<64x3200xf32>
    %dot_general3A_102 = tpu.matmul %get3A_95, %get3A_100, %dot_general3A_101 {dimension_numbers = #tpu.dot_dimension_numbers<[0], [0], [1], [1], [0, 1, 1, 1], [], []>, transpose_lhs_hint = false} : vector<64x64xf32>, vector<64x3200xf32>, vector<64x3200xf32> -> vector<64x3200xf32>
    %reshape3A_103 = vector.shape_cast %dot_general3A_102 : vector<64x3200xf32> to vector<64x32x100xf32>
    %broadcast_in_dim3A_104 = arith.constant 0.000000e+00 : f32
    %broadcast_in_dim3A_105 = vector.broadcast %broadcast_in_dim3A_104 : f32 to vector<1x1x100xf32>
    %add3A_106 = vector.broadcast %broadcast_in_dim3A_105 : vector<1x1x100xf32> to vector<64x32x100xf32>
    %add3A_107 = arith.addf %reshape3A_103, %add3A_106 : vector<64x32x100xf32>
    %reshape3A_108 = vector.shape_cast %add3A_107 : vector<64x32x100xf32> to vector<2048x100xf32>
    %dot_general3A_109 = arith.constant dense<0.000000e+00> : vector<2048x100xf32>
    %dot_general3A_110 = tpu.matmul %reshape3A_108, %get3A_1, %dot_general3A_109 {dimension_numbers = #tpu.dot_dimension_numbers<[1], [0], [0], [1], [0, 0, 1, 1], [], []>, transpose_lhs_hint = false} : vector<2048x100xf32>, vector<100x100xf32>, vector<2048x100xf32> -> vector<2048x100xf32>
    %reshape3A_111 = vector.shape_cast %dot_general3A_110 : vector<2048x100xf32> to vector<64x32x100xf32>
    %get3A_112 = arith.constant 0 : index
    %get3A_113 = arith.constant 0 : index
    %get3A_114 = vector.load %arg4[%get3A_112, %get3A_113] : memref<64x1xf32, #tpu.memory_space<vmem>>, vector<64x1xf32>
    %reshape3A_115 = vector.shape_cast %get3A_114 : vector<64x1xf32> to vector<64x1x1xf32>
    %add3A_116 = vector.broadcast %reshape3A_115 : vector<64x1x1xf32> to vector<64x32x100xf32>
    %add3A_117 = arith.addf %reshape3A_111, %add3A_116 : vector<64x32x100xf32>
    %swap3A_118 = arith.constant 3 : index
    %swap3A_119 = arith.constant 0 : index
    %swap3A_120 = arith.constant 0 : index
    %swap3A_121 = arith.constant 0 : index
    %swap3A_122 = vector.load %arg5[%swap3A_118, %swap3A_119, %swap3A_120, %swap3A_121] : memref<8x64x32x100xf32, #tpu.memory_space<vmem>>, vector<1x64x32x100xf32>
    %swap3A_123 = vector.shape_cast %swap3A_122 : vector<1x64x32x100xf32> to vector<64x32x100xf32>
    %swap3A_124 = vector.shape_cast %add3A_117 : vector<64x32x100xf32> to vector<1x64x32x100xf32>
    tpu.vector_store %arg5[%swap3A_118, %swap3A_119, %swap3A_120, %swap3A_121], %swap3A_124 {strides = array<i32>} : memref<8x64x32x100xf32, #tpu.memory_space<vmem>>, vector<1x64x32x100xf32>,
    %get3A_125 = arith.constant 0 : index
    %get3A_126 = arith.constant 0 : index
    %get3A_127 = vector.load %arg2[%get3A_125, %get3A_126] : memref<64x64xf32, #tpu.memory_space<vmem>>, vector<64x64xf32>
    %get3A_128 = arith.constant 4 : index
    %get3A_129 = arith.constant 0 : index
    %get3A_130 = arith.constant 0 : index
    %get3A_131 = vector.load %arg1[%get3A_128, %get3A_129, %get3A_130] : memref<8x64x3200xf32, #tpu.memory_space<vmem>>, vector<1x64x3200xf32>
    %get3A_132 = vector.shape_cast %get3A_131 : vector<1x64x3200xf32> to vector<64x3200xf32>
    %dot_general3A_133 = arith.constant dense<0.000000e+00> : vector<64x3200xf32>
    %dot_general3A_134 = tpu.matmul %get3A_127, %get3A_132, %dot_general3A_133 {dimension_numbers = #tpu.dot_dimension_numbers<[0], [0], [1], [1], [0, 1, 1, 1], [], []>, transpose_lhs_hint = false} : vector<64x64xf32>, vector<64x3200xf32>, vector<64x3200xf32> -> vector<64x3200xf32>
    %reshape3A_135 = vector.shape_cast %dot_general3A_134 : vector<64x3200xf32> to vector<64x32x100xf32>
    %broadcast_in_dim3A_136 = arith.constant 0.000000e+00 : f32
    %broadcast_in_dim3A_137 = vector.broadcast %broadcast_in_dim3A_136 : f32 to vector<1x1x100xf32>
    %add3A_138 = vector.broadcast %broadcast_in_dim3A_137 : vector<1x1x100xf32> to vector<64x32x100xf32>
    %add3A_139 = arith.addf %reshape3A_135, %add3A_138 : vector<64x32x100xf32>
    %reshape3A_140 = vector.shape_cast %add3A_139 : vector<64x32x100xf32> to vector<2048x100xf32>
    %dot_general3A_141 = arith.constant dense<0.000000e+00> : vector<2048x100xf32>
    %dot_general3A_142 = tpu.matmul %reshape3A_140, %get3A_1, %dot_general3A_141 {dimension_numbers = #tpu.dot_dimension_numbers<[1], [0], [0], [1], [0, 0, 1, 1], [], []>, transpose_lhs_hint = false} : vector<2048x100xf32>, vector<100x100xf32>, vector<2048x100xf32> -> vector<2048x100xf32>
    %reshape3A_143 = vector.shape_cast %dot_general3A_142 : vector<2048x100xf32> to vector<64x32x100xf32>
    %get3A_144 = arith.constant 0 : index
    %get3A_145 = arith.constant 0 : index
    %get3A_146 = vector.load %arg4[%get3A_144, %get3A_145] : memref<64x1xf32, #tpu.memory_space<vmem>>, vector<64x1xf32>
    %reshape3A_147 = vector.shape_cast %get3A_146 : vector<64x1xf32> to vector<64x1x1xf32>
    %add3A_148 = vector.broadcast %reshape3A_147 : vector<64x1x1xf32> to vector<64x32x100xf32>
    %add3A_149 = arith.addf %reshape3A_143, %add3A_148 : vector<64x32x100xf32>
    %swap3A_150 = arith.constant 4 : index
    %swap3A_151 = arith.constant 0 : index
    %swap3A_152 = arith.constant 0 : index
    %swap3A_153 = arith.constant 0 : index
    %swap3A_154 = vector.load %arg5[%swap3A_150, %swap3A_151, %swap3A_152, %swap3A_153] : memref<8x64x32x100xf32, #tpu.memory_space<vmem>>, vector<1x64x32x100xf32>
    %swap3A_155 = vector.shape_cast %swap3A_154 : vector<1x64x32x100xf32> to vector<64x32x100xf32>
    %swap3A_156 = vector.shape_cast %add3A_149 : vector<64x32x100xf32> to vector<1x64x32x100xf32>
    tpu.vector_store %arg5[%swap3A_150, %swap3A_151, %swap3A_152, %swap3A_153], %swap3A_156 {strides = array<i32>} : memref<8x64x32x100xf32, #tpu.memory_space<vmem>>, vector<1x64x32x100xf32>,
    %get3A_157 = arith.constant 0 : index
    %get3A_158 = arith.constant 0 : index
    %get3A_159 = vector.load %arg2[%get3A_157, %get3A_158] : memref<64x64xf32, #tpu.memory_space<vmem>>, vector<64x64xf32>
    %get3A_160 = arith.constant 5 : index
    %get3A_161 = arith.constant 0 : index
    %get3A_162 = arith.constant 0 : index
    %get3A_163 = vector.load %arg1[%get3A_160, %get3A_161, %get3A_162] : memref<8x64x3200xf32, #tpu.memory_space<vmem>>, vector<1x64x3200xf32>
    %get3A_164 = vector.shape_cast %get3A_163 : vector<1x64x3200xf32> to vector<64x3200xf32>
    %dot_general3A_165 = arith.constant dense<0.000000e+00> : vector<64x3200xf32>
    %dot_general3A_166 = tpu.matmul %get3A_159, %get3A_164, %dot_general3A_165 {dimension_numbers = #tpu.dot_dimension_numbers<[0], [0], [1], [1], [0, 1, 1, 1], [], []>, transpose_lhs_hint = false} : vector<64x64xf32>, vector<64x3200xf32>, vector<64x3200xf32> -> vector<64x3200xf32>
    %reshape3A_167 = vector.shape_cast %dot_general3A_166 : vector<64x3200xf32> to vector<64x32x100xf32>
    %broadcast_in_dim3A_168 = arith.constant 0.000000e+00 : f32
    %broadcast_in_dim3A_169 = vector.broadcast %broadcast_in_dim3A_168 : f32 to vector<1x1x100xf32>
    %add3A_170 = vector.broadcast %broadcast_in_dim3A_169 : vector<1x1x100xf32> to vector<64x32x100xf32>
    %add3A_171 = arith.addf %reshape3A_167, %add3A_170 : vector<64x32x100xf32>
    %reshape3A_172 = vector.shape_cast %add3A_171 : vector<64x32x100xf32> to vector<2048x100xf32>
    %dot_general3A_173 = arith.constant dense<0.000000e+00> : vector<2048x100xf32>
    %dot_general3A_174 = tpu.matmul %reshape3A_172, %get3A_1, %dot_general3A_173 {dimension_numbers = #tpu.dot_dimension_numbers<[1], [0], [0], [1], [0, 0, 1, 1], [], []>, transpose_lhs_hint = false} : vector<2048x100xf32>, vector<100x100xf32>, vector<2048x100xf32> -> vector<2048x100xf32>
    %reshape3A_175 = vector.shape_cast %dot_general3A_174 : vector<2048x100xf32> to vector<64x32x100xf32>
    %get3A_176 = arith.constant 0 : index
    %get3A_177 = arith.constant 0 : index
    %get3A_178 = vector.load %arg4[%get3A_176, %get3A_177] : memref<64x1xf32, #tpu.memory_space<vmem>>, vector<64x1xf32>
    %reshape3A_179 = vector.shape_cast %get3A_178 : vector<64x1xf32> to vector<64x1x1xf32>
    %add3A_180 = vector.broadcast %reshape3A_179 : vector<64x1x1xf32> to vector<64x32x100xf32>
    %add3A_181 = arith.addf %reshape3A_175, %add3A_180 : vector<64x32x100xf32>
    %swap3A_182 = arith.constant 5 : index
    %swap3A_183 = arith.constant 0 : index
    %swap3A_184 = arith.constant 0 : index
    %swap3A_185 = arith.constant 0 : index
    %swap3A_186 = vector.load %arg5[%swap3A_182, %swap3A_183, %swap3A_184, %swap3A_185] : memref<8x64x32x100xf32, #tpu.memory_space<vmem>>, vector<1x64x32x100xf32>
    %swap3A_187 = vector.shape_cast %swap3A_186 : vector<1x64x32x100xf32> to vector<64x32x100xf32>
    %swap3A_188 = vector.shape_cast %add3A_181 : vector<64x32x100xf32> to vector<1x64x32x100xf32>
    tpu.vector_store %arg5[%swap3A_182, %swap3A_183, %swap3A_184, %swap3A_185], %swap3A_188 {strides = array<i32>} : memref<8x64x32x100xf32, #tpu.memory_space<vmem>>, vector<1x64x32x100xf32>,
    %get3A_189 = arith.constant 0 : index
    %get3A_190 = arith.constant 0 : index
    %get3A_191 = vector.load %arg2[%get3A_189, %get3A_190] : memref<64x64xf32, #tpu.memory_space<vmem>>, vector<64x64xf32>
    %get3A_192 = arith.constant 6 : index
    %get3A_193 = arith.constant 0 : index
    %get3A_194 = arith.constant 0 : index
    %get3A_195 = vector.load %arg1[%get3A_192, %get3A_193, %get3A_194] : memref<8x64x3200xf32, #tpu.memory_space<vmem>>, vector<1x64x3200xf32>
    %get3A_196 = vector.shape_cast %get3A_195 : vector<1x64x3200xf32> to vector<64x3200xf32>
    %dot_general3A_197 = arith.constant dense<0.000000e+00> : vector<64x3200xf32>
    %dot_general3A_198 = tpu.matmul %get3A_191, %get3A_196, %dot_general3A_197 {dimension_numbers = #tpu.dot_dimension_numbers<[0], [0], [1], [1], [0, 1, 1, 1], [], []>, transpose_lhs_hint = false} : vector<64x64xf32>, vector<64x3200xf32>, vector<64x3200xf32> -> vector<64x3200xf32>
    %reshape3A_199 = vector.shape_cast %dot_general3A_198 : vector<64x3200xf32> to vector<64x32x100xf32>
    %broadcast_in_dim3A_200 = arith.constant 0.000000e+00 : f32
    %broadcast_in_dim3A_201 = vector.broadcast %broadcast_in_dim3A_200 : f32 to vector<1x1x100xf32>
    %add3A_202 = vector.broadcast %broadcast_in_dim3A_201 : vector<1x1x100xf32> to vector<64x32x100xf32>
    %add3A_203 = arith.addf %reshape3A_199, %add3A_202 : vector<64x32x100xf32>
    %reshape3A_204 = vector.shape_cast %add3A_203 : vector<64x32x100xf32> to vector<2048x100xf32>
    %dot_general3A_205 = arith.constant dense<0.000000e+00> : vector<2048x100xf32>
    %dot_general3A_206 = tpu.matmul %reshape3A_204, %get3A_1, %dot_general3A_205 {dimension_numbers = #tpu.dot_dimension_numbers<[1], [0], [0], [1], [0, 0, 1, 1], [], []>, transpose_lhs_hint = false} : vector<2048x100xf32>, vector<100x100xf32>, vector<2048x100xf32> -> vector<2048x100xf32>
    %reshape3A_207 = vector.shape_cast %dot_general3A_206 : vector<2048x100xf32> to vector<64x32x100xf32>
    %get3A_208 = arith.constant 0 : index
    %get3A_209 = arith.constant 0 : index
    %get3A_210 = vector.load %arg4[%get3A_208, %get3A_209] : memref<64x1xf32, #tpu.memory_space<vmem>>, vector<64x1xf32>
    %reshape3A_211 = vector.shape_cast %get3A_210 : vector<64x1xf32> to vector<64x1x1xf32>
    %add3A_212 = vector.broadcast %reshape3A_211 : vector<64x1x1xf32> to vector<64x32x100xf32>
    %add3A_213 = arith.addf %reshape3A_207, %add3A_212 : vector<64x32x100xf32>
    %swap3A_214 = arith.constant 6 : index
    %swap3A_215 = arith.constant 0 : index
    %swap3A_216 = arith.constant 0 : index
    %swap3A_217 = arith.constant 0 : index
    %swap3A_218 = vector.load %arg5[%swap3A_214, %swap3A_215, %swap3A_216, %swap3A_217] : memref<8x64x32x100xf32, #tpu.memory_space<vmem>>, vector<1x64x32x100xf32>
    %swap3A_219 = vector.shape_cast %swap3A_218 : vector<1x64x32x100xf32> to vector<64x32x100xf32>
    %swap3A_220 = vector.shape_cast %add3A_213 : vector<64x32x100xf32> to vector<1x64x32x100xf32>
    tpu.vector_store %arg5[%swap3A_214, %swap3A_215, %swap3A_216, %swap3A_217], %swap3A_220 {strides = array<i32>} : memref<8x64x32x100xf32, #tpu.memory_space<vmem>>, vector<1x64x32x100xf32>,
    %get3A_221 = arith.constant 0 : index
    %get3A_222 = arith.constant 0 : index
    %get3A_223 = vector.load %arg2[%get3A_221, %get3A_222] : memref<64x64xf32, #tpu.memory_space<vmem>>, vector<64x64xf32>
    %get3A_224 = arith.constant 7 : index
    %get3A_225 = arith.constant 0 : index
    %get3A_226 = arith.constant 0 : index
    %get3A_227 = vector.load %arg1[%get3A_224, %get3A_225, %get3A_226] : memref<8x64x3200xf32, #tpu.memory_space<vmem>>, vector<1x64x3200xf32>
    %get3A_228 = vector.shape_cast %get3A_227 : vector<1x64x3200xf32> to vector<64x3200xf32>
    %dot_general3A_229 = arith.constant dense<0.000000e+00> : vector<64x3200xf32>
    %dot_general3A_230 = tpu.matmul %get3A_223, %get3A_228, %dot_general3A_229 {dimension_numbers = #tpu.dot_dimension_numbers<[0], [0], [1], [1], [0, 1, 1, 1], [], []>, transpose_lhs_hint = false} : vector<64x64xf32>, vector<64x3200xf32>, vector<64x3200xf32> -> vector<64x3200xf32>
    %reshape3A_231 = vector.shape_cast %dot_general3A_230 : vector<64x3200xf32> to vector<64x32x100xf32>
    %broadcast_in_dim3A_232 = arith.constant 0.000000e+00 : f32
    %broadcast_in_dim3A_233 = vector.broadcast %broadcast_in_dim3A_232 : f32 to vector<1x1x100xf32>
    %add3A_234 = vector.broadcast %broadcast_in_dim3A_233 : vector<1x1x100xf32> to vector<64x32x100xf32>
    %add3A_235 = arith.addf %reshape3A_231, %add3A_234 : vector<64x32x100xf32>
    %reshape3A_236 = vector.shape_cast %add3A_235 : vector<64x32x100xf32> to vector<2048x100xf32>
    %dot_general3A_237 = arith.constant dense<0.000000e+00> : vector<2048x100xf32>
    %dot_general3A_238 = tpu.matmul %reshape3A_236, %get3A_1, %dot_general3A_237 {dimension_numbers = #tpu.dot_dimension_numbers<[1], [0], [0], [1], [0, 0, 1, 1], [], []>, transpose_lhs_hint = false} : vector<2048x100xf32>, vector<100x100xf32>, vector<2048x100xf32> -> vector<2048x100xf32>
    %reshape3A_239 = vector.shape_cast %dot_general3A_238 : vector<2048x100xf32> to vector<64x32x100xf32>
    %get3A_240 = arith.constant 0 : index
    %get3A_241 = arith.constant 0 : index
    %get3A_242 = vector.load %arg4[%get3A_240, %get3A_241] : memref<64x1xf32, #tpu.memory_space<vmem>>, vector<64x1xf32>
    %reshape3A_243 = vector.shape_cast %get3A_242 : vector<64x1xf32> to vector<64x1x1xf32>
    %add3A_244 = vector.broadcast %reshape3A_243 : vector<64x1x1xf32> to vector<64x32x100xf32>
    %add3A_245 = arith.addf %reshape3A_239, %add3A_244 : vector<64x32x100xf32>
    %swap3A_246 = arith.constant 7 : index
    %swap3A_247 = arith.constant 0 : index
    %swap3A_248 = arith.constant 0 : index
    %swap3A_249 = arith.constant 0 : index
    %swap3A_250 = vector.load %arg5[%swap3A_246, %swap3A_247, %swap3A_248, %swap3A_249] : memref<8x64x32x100xf32, #tpu.memory_space<vmem>>, vector<1x64x32x100xf32>
    %swap3A_251 = vector.shape_cast %swap3A_250 : vector<1x64x32x100xf32> to vector<64x32x100xf32>
    %swap3A_252 = vector.shape_cast %add3A_245 : vector<64x32x100xf32> to vector<1x64x32x100xf32>
    tpu.vector_store %arg5[%swap3A_246, %swap3A_247, %swap3A_248, %swap3A_249], %swap3A_252 {strides = array<i32>} : memref<8x64x32x100xf32, #tpu.memory_space<vmem>>, vector<1x64x32x100xf32>,
    return
  }
  func.func @transform_0(%arg0: i32) -> (i32, i32, i32) {
    %c0_i32 = arith.constant 0 : i32
    %c0_i32_0 = arith.constant 0 : i32
    %c0_i32_1 = arith.constant 0 : i32
    return %arg0, %c0_i32, %c0_i32_0 : i32, i32, i32
  }
  func.func @transform_1(%arg0: i32) -> (i32, i32) {
    %c0_i32 = arith.constant 0 : i32
    %c0_i32_0 = arith.constant 0 : i32
    %c0_i32_1 = arith.constant 0 : i32
    return %c0_i32, %c0_i32_0 : i32, i32
  }
  func.func @transform_2(%arg0: i32) -> (i32, i32) {
    %c0_i32 = arith.constant 0 : i32
    %c0_i32_0 = arith.constant 0 : i32
    %c0_i32_1 = arith.constant 0 : i32
    return %c0_i32, %c0_i32_0 : i32, i32
  }
  func.func @transform_3(%arg0: i32) -> (i32, i32) {
    %c0_i32 = arith.constant 0 : i32
    %c0_i32_0 = arith.constant 0 : i32
    %c0_i32_1 = arith.constant 0 : i32
    return %c0_i32, %c0_i32_0 : i32, i32
  }
  func.func @transform_4(%arg0: i32) -> (i32, i32, i32, i32) {
    %c0_i32 = arith.constant 0 : i32
    %c0_i32_0 = arith.constant 0 : i32
    %c0_i32_1 = arith.constant 0 : i32
    %c0_i32_2 = arith.constant 0 : i32
    return %arg0, %c0_i32, %c0_i32_0, %c0_i32_1 : i32, i32, i32, i32
  }
}

module attributes {stable_mosaic.version = 14 : i64} {
  func.func @_build_k_kernel(%arg0: memref<25x32xf32, #tpu.memory_space<vmem>>, %arg1: memref<100x100xf32, #tpu.memory_space<vmem>>) attributes {dimension_semantics = [], scalar_prefetch = 0 : i64, scratch_operands = 0 : i64, tpu.core_type = #tpu.core_type<tc>} {
    %get3A = arith.constant 0 : index
    %get3A_0 = arith.constant 0 : index
    %get3A_1 = vector.load %arg0[%get3A, %get3A_0] : memref<25x32xf32, #tpu.memory_space<vmem>>, vector<25x32xf32>
    %slice3A = vector.extract_strided_slice %get3A_1 {offsets = [0, 0], sizes = [25, 25], strides = [1, 1]} : vector<25x32xf32> to vector<25x25xf32>
    %reduce_sum3A = arith.constant dense<0.000000e+00> : vector<25xf32>
    %reduce_sum3A_2 = vector.multi_reduction <add>, %slice3A, %reduce_sum3A [1] : vector<25x25xf32> to vector<25xf32>
    %broadcast_in_dim3A = vector.shape_cast %reduce_sum3A_2 : vector<25xf32> to vector<25x1xf32>
    %add3A = arith.constant 1.000000e+00 : f32
    %add3A_3 = vector.broadcast %add3A : f32 to vector<25x1xf32>
    %add3A_4 = arith.addf %broadcast_in_dim3A, %add3A_3 : vector<25x1xf32>
    %rsqrt3A = math.rsqrt %add3A_4 : vector<25x1xf32>
    %dot_general3A = arith.constant dense<0.000000e+00> : vector<25x25xf32>
    %dot_general3A_5 = tpu.matmul %rsqrt3A, %rsqrt3A, %dot_general3A {dimension_numbers = #tpu.dot_dimension_numbers<[1], [1], [0], [0], [0, 0, 1, 0], [], []>, transpose_lhs_hint = false} : vector<25x1xf32>, vector<25x1xf32>, vector<25x25xf32> -> vector<25x25xf32>
    %iota3A = tpu.iota {dimensions = array<i32: 0>} : vector<25x25xi32>
    %iota3A_6 = tpu.iota {dimensions = array<i32: 1>} : vector<25x25xi32>
    %eq3A = arith.cmpi eq, %iota3A, %iota3A_6 : vector<25x25xi32>
    %convert_element_type3A = arith.extui %eq3A : vector<25x25xi1> to vector<25x25xi32>
    %convert_element_type3A_7 = arith.sitofp %convert_element_type3A : vector<25x25xi32> to vector<25x25xf32>
    %add3A_8 = arith.addf %slice3A, %convert_element_type3A_7 : vector<25x25xf32>
    %mul3A = arith.mulf %add3A_8, %dot_general3A_5 : vector<25x25xf32>
    %iota3A_9 = tpu.iota {dimensions = array<i32: 0>} : vector<100x100xi32>
    %iota3A_10 = tpu.iota {dimensions = array<i32: 1>} : vector<100x100xi32>
    %jit3A = arith.constant 25 : i32
    %div3A = vector.broadcast %jit3A : i32 to vector<100x100xi32>
    %div3A_11 = arith.divsi %iota3A_9, %div3A : vector<100x100xi32>
    %sign3A = arith.constant 0 : i32
    %sign3A_12 = vector.broadcast %sign3A : i32 to vector<100x100xi32>
    %sign3A_13 = arith.cmpi sgt, %iota3A_9, %sign3A_12 : vector<100x100xi32>
    %sign3A_14 = arith.extui %sign3A_13 : vector<100x100xi1> to vector<100x100xi32>
    %sign3A_15 = arith.constant 0 : i32
    %sign3A_16 = vector.broadcast %sign3A_15 : i32 to vector<100x100xi32>
    %sign3A_17 = arith.cmpi slt, %iota3A_9, %sign3A_16 : vector<100x100xi32>
    %sign3A_18 = arith.extui %sign3A_17 : vector<100x100xi1> to vector<100x100xi32>
    %sign3A_19 = arith.subi %sign3A_14, %sign3A_18 : vector<100x100xi32>
    %sign3A_20 = arith.constant 0 : i32
    %sign3A_21 = arith.cmpi sgt, %jit3A, %sign3A_20 : i32
    %sign3A_22 = arith.extui %sign3A_21 : i1 to i32
    %sign3A_23 = arith.constant 0 : i32
    %sign3A_24 = arith.cmpi slt, %jit3A, %sign3A_23 : i32
    %sign3A_25 = arith.extui %sign3A_24 : i1 to i32
    %sign3A_26 = arith.subi %sign3A_22, %sign3A_25 : i32
    %ne3A = vector.broadcast %sign3A_26 : i32 to vector<100x100xi32>
    %ne3A_27 = arith.cmpi ne, %sign3A_19, %ne3A : vector<100x100xi32>
    %rem3A = vector.broadcast %jit3A : i32 to vector<100x100xi32>
    %rem3A_28 = arith.remsi %iota3A_9, %rem3A : vector<100x100xi32>
    %ne3A_29 = arith.constant 0 : i32
    %ne3A_30 = vector.broadcast %ne3A_29 : i32 to vector<100x100xi32>
    %ne3A_31 = arith.cmpi ne, %rem3A_28, %ne3A_30 : vector<100x100xi32>
    %and3A = arith.andi %ne3A_27, %ne3A_31 : vector<100x100xi1>
    %sub3A = arith.constant 1 : i32
    %sub3A_32 = vector.broadcast %sub3A : i32 to vector<100x100xi32>
    %sub3A_33 = arith.subi %div3A_11, %sub3A_32 : vector<100x100xi32>
    %select_n3A = arith.select %and3A, %sub3A_33, %div3A_11 : vector<100x100xi1>, vector<100x100xi32>
    %jit3A_34 = arith.constant 25 : i32
    %div3A_35 = vector.broadcast %jit3A_34 : i32 to vector<100x100xi32>
    %div3A_36 = arith.divsi %iota3A_10, %div3A_35 : vector<100x100xi32>
    %sign3A_37 = arith.constant 0 : i32
    %sign3A_38 = vector.broadcast %sign3A_37 : i32 to vector<100x100xi32>
    %sign3A_39 = arith.cmpi sgt, %iota3A_10, %sign3A_38 : vector<100x100xi32>
    %sign3A_40 = arith.extui %sign3A_39 : vector<100x100xi1> to vector<100x100xi32>
    %sign3A_41 = arith.constant 0 : i32
    %sign3A_42 = vector.broadcast %sign3A_41 : i32 to vector<100x100xi32>
    %sign3A_43 = arith.cmpi slt, %iota3A_10, %sign3A_42 : vector<100x100xi32>
    %sign3A_44 = arith.extui %sign3A_43 : vector<100x100xi1> to vector<100x100xi32>
    %sign3A_45 = arith.subi %sign3A_40, %sign3A_44 : vector<100x100xi32>
    %sign3A_46 = arith.constant 0 : i32
    %sign3A_47 = arith.cmpi sgt, %jit3A_34, %sign3A_46 : i32
    %sign3A_48 = arith.extui %sign3A_47 : i1 to i32
    %sign3A_49 = arith.constant 0 : i32
    %sign3A_50 = arith.cmpi slt, %jit3A_34, %sign3A_49 : i32
    %sign3A_51 = arith.extui %sign3A_50 : i1 to i32
    %sign3A_52 = arith.subi %sign3A_48, %sign3A_51 : i32
    %ne3A_53 = vector.broadcast %sign3A_52 : i32 to vector<100x100xi32>
    %ne3A_54 = arith.cmpi ne, %sign3A_45, %ne3A_53 : vector<100x100xi32>
    %rem3A_55 = vector.broadcast %jit3A_34 : i32 to vector<100x100xi32>
    %rem3A_56 = arith.remsi %iota3A_10, %rem3A_55 : vector<100x100xi32>
    %ne3A_57 = arith.constant 0 : i32
    %ne3A_58 = vector.broadcast %ne3A_57 : i32 to vector<100x100xi32>
    %ne3A_59 = arith.cmpi ne, %rem3A_56, %ne3A_58 : vector<100x100xi32>
    %and3A_60 = arith.andi %ne3A_54, %ne3A_59 : vector<100x100xi1>
    %sub3A_61 = arith.constant 1 : i32
    %sub3A_62 = vector.broadcast %sub3A_61 : i32 to vector<100x100xi32>
    %sub3A_63 = arith.subi %div3A_36, %sub3A_62 : vector<100x100xi32>
    %select_n3A_64 = arith.select %and3A_60, %sub3A_63, %div3A_36 : vector<100x100xi1>, vector<100x100xi32>
    %eq3A_65 = arith.cmpi eq, %select_n3A, %select_n3A_64 : vector<100x100xi32>
    %convert_element_type3A_66 = arith.extui %eq3A_65 : vector<100x100xi1> to vector<100x100xi32>
    %convert_element_type3A_67 = arith.sitofp %convert_element_type3A_66 : vector<100x100xi32> to vector<100x100xf32>
    %iota3A_68 = tpu.iota {dimensions = array<i32: 0>} : vector<100x25xi32>
    %jit3A_69 = arith.constant 25 : i32
    %eq3A_70 = arith.constant 0 : i32
    %eq3A_71 = arith.cmpi eq, %jit3A_69, %eq3A_70 : i32
    %jit3A_72 = arith.constant 1 : i32
    %select_n3A_73 = arith.select %eq3A_71, %jit3A_72, %jit3A_69 : i32
    %rem3A_74 = vector.broadcast %select_n3A_73 : i32 to vector<100x25xi32>
    %rem3A_75 = arith.remsi %iota3A_68, %rem3A_74 : vector<100x25xi32>
    %ne3A_76 = arith.constant 0 : i32
    %ne3A_77 = vector.broadcast %ne3A_76 : i32 to vector<100x25xi32>
    %ne3A_78 = arith.cmpi ne, %rem3A_75, %ne3A_77 : vector<100x25xi32>
    %lt3A = arith.constant 0 : i32
    %lt3A_79 = vector.broadcast %lt3A : i32 to vector<100x25xi32>
    %lt3A_80 = arith.cmpi slt, %rem3A_75, %lt3A_79 : vector<100x25xi32>
    %lt3A_81 = arith.constant 0 : i32
    %lt3A_82 = arith.cmpi slt, %select_n3A_73, %lt3A_81 : i32
    %ne3A_83 = vector.broadcast %lt3A_82 : i1 to vector<100x25xi1>
    %ne3A_84 = vector.broadcast %ne3A_83 : vector<100x25xi1> to vector<100x25xi1>
    %ne3A_85 = arith.xori %lt3A_80, %ne3A_84 : vector<100x25xi1>
    %and3A_86 = arith.andi %ne3A_85, %ne3A_78 : vector<100x25xi1>
    %add3A_87 = vector.broadcast %select_n3A_73 : i32 to vector<100x25xi32>
    %add3A_88 = arith.addi %rem3A_75, %add3A_87 : vector<100x25xi32>
    %select_n3A_89 = arith.select %and3A_86, %add3A_88, %rem3A_75 : vector<100x25xi1>, vector<100x25xi32>
    %iota3A_90 = tpu.iota {dimensions = array<i32: 1>} : vector<100x25xi32>
    %eq3A_91 = arith.cmpi eq, %select_n3A_89, %iota3A_90 : vector<100x25xi32>
    %convert_element_type3A_92 = arith.extui %eq3A_91 : vector<100x25xi1> to vector<100x25xi32>
    %convert_element_type3A_93 = arith.sitofp %convert_element_type3A_92 : vector<100x25xi32> to vector<100x25xf32>
    %dot_general3A_94 = arith.constant dense<0.000000e+00> : vector<100x25xf32>
    %dot_general3A_95 = tpu.matmul %convert_element_type3A_93, %mul3A, %dot_general3A_94 {dimension_numbers = #tpu.dot_dimension_numbers<[1], [1], [0], [0], [0, 0, 1, 0], [], []>, transpose_lhs_hint = false} : vector<100x25xf32>, vector<25x25xf32>, vector<100x25xf32> -> vector<100x25xf32>
    %dot_general3A_96 = arith.constant dense<0.000000e+00> : vector<100x100xf32>
    %dot_general3A_97 = tpu.matmul %dot_general3A_95, %convert_element_type3A_93, %dot_general3A_96 {dimension_numbers = #tpu.dot_dimension_numbers<[1], [1], [0], [0], [0, 0, 1, 0], [], []>, transpose_lhs_hint = false} : vector<100x25xf32>, vector<100x25xf32>, vector<100x100xf32> -> vector<100x100xf32>
    %mul3A_98 = arith.mulf %dot_general3A_97, %convert_element_type3A_67 : vector<100x100xf32>
    %swap3A = arith.constant 0 : index
    %swap3A_99 = arith.constant 0 : index
    %swap3A_100 = vector.load %arg1[%swap3A, %swap3A_99] : memref<100x100xf32, #tpu.memory_space<vmem>>, vector<100x100xf32>
    tpu.vector_store %arg1[%swap3A, %swap3A_99], %mul3A_98 {strides = array<i32>} : memref<100x100xf32, #tpu.memory_space<vmem>>, vector<100x100xf32>,
    return
  }
}

</mosaic_0001>

<sc_bundles>
// kernel: kernel.5.cloned.1.call-start
scs
__scs_entry_jumppad:
0x0: {  	(pc) =	sbr.rel $0x88, $3  }
0x1: {  	(tag) =	ssettag $0x0;
	lr =	simm.s32 $0x1  }
0x2: {  	[smem:$0x3F9D] =	sst lr;
	_ =	strace $0xD0000000  }
0x3: {  	_ = 	snop  }
0x4: {  	_ = 	snop  }
0x5: {  	_ = 	snop  }
0x6: {  	_ = 	snop  }
0x7: {  	_ = 	snop  }
__scs_overlays_trampoline_lowered:
0x8: {  	[smem:$0x3FAC] =	sst s0  }
0x9: {  	[smem:$0x3FAD] =	sst s1  }
0xa: {  	[smem:$0x3FAE] =	sst s2  }
0xb: {  	[smem:$0x3FAF] =	sst s3  }
0xc: {  	[smem:$0x3FB0] =	sst s4  }
0xd: {  	[smem:$0x3FB1] =	sst s5  }
0xe: {  	[smem:$0x3FB2] =	sst s6  }
0xf: {  	[smem:$0x3FB3] =	sst s7  }
0x10: {  	[smem:$0x3FB4] =	sst s8  }
0x11: {  	[smem:$0x3FB5] =	sst s9;
	s0 =	simm.s32 @!p0 $0x0  }
0x12: {  	s1 =	sld [smem:$0x3F9B];
	s0 =	simm.s32 @p0 $0x1  }
0x13: {  	[smem:$0x3FB6] =	sst s0;
	s0 =	simm.s32 @!p1 $0x0  }
0x14: {  	s2 =	sld [smem:$0x3F9A];
	s0 =	simm.s32 @p1 $0x1  }
0x15: {  	[smem:$0x3FB7] =	sst s0;
	s0 =	simm.s32 @!p2 $0x0  }
0x16: {  	s3 =	sld [smem:$0x3FDB];
	s0 =	simm.s32 @p2 $0x1  }
0x17: {  	s4 =	simm.s32 $0x1BF5;
	[smem:$0x3FB9] =	sst s0  }
0x18: {  	s0 =	sld [smem:$0x3F9C];
	_ =	swait.ge [sflag:s4], $0x0  }
0x19: {  	s7 =	sld [smem:$0x3F9D]  }
0x1a: {  	s8 =	sadd.s32 $0xFFFFE003, lr  }
0x1b: {  	s9 =	sadd.s32 $0xFFFFFEF7, lr;
	s5 =	simm.s32 $0xFFFFFFFF;
	p2 =	slt.u32 s8, $0xFFFFF086  }
0x1c: {  	p1 =	slt.u32 s9, $0xF7A;
	s5 =	simm.s32 @!p2 $0x0  }
0x1d: {  	s5 =	simm.s32 @p1 $0x1;
	p0 =	seq.s32 s7, s2  }
0x1e: {  	s7 =	smul.u32 @!p0 $0xF7A, s2;
	p2 =	seq.s32 @!p0 s5, $0x0  }
0x1f: {  	s9 =	smul.u32 $0xF7A, s1;
	s8 =	simm.s32 @!p0 $0x1BF5;
	p2 =	por !p2, p0  }
0x20: {  	[sflag:s8] =	ssyncset.s32 @!p0 $0xFFFFF086;
	s6 =	sadd.s32 @!p0 s3, s7;
	s7 =	simm.s32 @!p0 $0x108  }
0x21: {  	s3 =	sadd.s32 s3, s9;
	s6 =	sadd.s32 @!p0 $0x88, s6;
	s7 =	simm.s32 @p2 $0x1082  }
0x22: {  	[simem:s7], [sflag:s8] =	dma.local @!p0 [hbm:s6], $0xF7A  }
0x23: {  	s9 =	sor.u32 $0xD0000000, s2;
	s6 =	simm.s32 $0x108;
	_ =	swait.ge @!p0 [sflag:s8], $0x0  }
0x24: {  	s3 =	sadd.s32 $0x88, s3;
	s6 =	simm.s32 @!p1 $0x1082;
	[sflag:s4] =	ssyncset.s32 $0xFFFFF086  }
0x25: {  	[simem:s6], [sflag:s4] =	dma.local [hbm:s3], $0xF7A  }
0x26: {  	[smem:$0x3F9D] =	sst s1;
	(tag) =	ssettag s2;
	_ =	strace s9  }
0x27: {  	s1 =	sld [smem:$0x3FAD]  }
0x28: {  	s2 =	sld [smem:$0x3FAE]  }
0x29: {  	s4 =	sld [smem:$0x3FB0]  }
0x2a: {  	p0 =	seq.s32 s5, $0x0;
	s5 =	sld [smem:$0x3FB1]  }
0x2b: {  	s6 =	sld [smem:$0x3FB2]  }
0x2c: {  	s7 =	sld [smem:$0x3FB3]  }
0x2d: {  	s3 =	simm.s32 $0x108;
	s8 =	sld [smem:$0x3FB4]  }
0x2e: {  	s3 =	simm.s32 @!p0 $0x1082;
	s9 =	sld [smem:$0x3FB5]  }
0x2f: {  	lr =	sadd.s32 s0, s3;
	s0 =	sld [smem:$0x3FAC]  }
0x30: {  	s3 =	sld [smem:$0x3FAF]  }
0x31: {  	[smem:$0x3FB8] =	sst s10  }
0x32: {  	s10 =	sld [smem:$0x3FB6];
	_ =	sdelay $0x3  }
0x33: {  	p0 =	seq.s32 s10, $0x1;
	s10 =	sld [smem:$0x3FB8];
	_ =	sdelay $0x3  }
0x34: {  	[smem:$0x3FB8] =	sst s10  }
0x35: {  	s10 =	sld [smem:$0x3FB7];
	_ =	sdelay $0x3  }
0x36: {  	p1 =	seq.s32 s10, $0x1;
	s10 =	sld [smem:$0x3FB8];
	_ =	sdelay $0x3  }
0x37: {  	[smem:$0x3FB8] =	sst s10  }
0x38: {  	s10 =	sld [smem:$0x3FB9]  }
0x39: {  	_ = 	snop;
	(pc) =	sbr.ind lr, $3  }
0x3a: {  	_ = 	snop  }
0x3b: {  	_ = 	snop  }
0x3c: {  	p2 =	seq.s32 s10, $0x1;
	s10 =	sld [smem:$0x3FB8]  }
0x3d: {  	_ =	shalt  }
0x3e: {  	_ =	shalt  }
0x3f: {  	_ =	shalt  }
0x40: {  	_ =	shalt  }
0x41: {  	_ =	shalt  }
0x42: {  	_ =	shalt  }
0x43: {  	_ =	shalt  }
0x44: {  	_ =	shalt  }
0x45: {  	_ =	shalt  }
0x46: {  	_ =	shalt  }
0x47: {  	_ =	shalt  }
0x48: {  	_ =	shalt  }
0x49: {  	_ =	shalt  }
0x4a: {  	_ =	shalt  }
0x4b: {  	_ =	shalt  }
0x4c: {  	_ =	shalt  }
0x4d: {  	_ =	shalt  }
0x4e: {  	_ =	shalt  }
0x4f: {  	_ =	shalt  }
0x50: {  	_ =	shalt  }
0x51: {  	_ =	shalt  }
0x52: {  	_ =	shalt  }
0x53: {  	_ =	shalt  }
0x54: {  	_ =	shalt  }
0x55: {  	_ =	shalt  }
0x56: {  	_ =	shalt  }
0x57: {  	_ =	shalt  }
0x58: {  	_ =	shalt  }
0x59: {  	_ =	shalt  }
0x5a: {  	_ =	shalt  }
0x5b: {  	_ =	shalt  }
0x5c: {  	_ =	shalt  }
0x5d: {  	_ =	shalt  }
0x5e: {  	_ =	shalt  }
0x5f: {  	_ =	shalt  }
0x60: {  	_ =	shalt  }
0x61: {  	_ =	shalt  }
0x62: {  	_ =	shalt  }
0x63: {  	_ =	shalt  }
0x64: {  	_ =	shalt  }
0x65: {  	_ =	shalt  }
0x66: {  	_ =	shalt  }
0x67: {  	_ =	shalt  }
0x68: {  	_ =	shalt  }
0x69: {  	_ =	shalt  }
0x6a: {  	_ =	shalt  }
0x6b: {  	_ =	shalt  }
0x6c: {  	_ =	shalt  }
0x6d: {  	_ =	shalt  }
0x6e: {  	_ =	shalt  }
0x6f: {  	_ =	shalt  }
0x70: {  	_ =	shalt  }
0x71: {  	_ =	shalt  }
0x72: {  	_ =	shalt  }
0x73: {  	_ =	shalt  }
0x74: {  	_ =	shalt  }
0x75: {  	_ =	shalt  }
0x76: {  	_ =	shalt  }
0x77: {  	_ =	shalt  }
0x78: {  	_ =	shalt  }
0x79: {  	_ =	shalt  }
0x7a: {  	_ =	shalt  }
0x7b: {  	_ =	shalt  }
0x7c: {  	_ =	shalt  }
0x7d: {  	_ =	shalt  }
0x7e: {  	_ =	shalt  }
0x7f: {  	_ =	shalt  }
0x80: {  	_ =	shalt  }
0x81: {  	_ =	shalt  }
0x82: {  	_ =	shalt  }
0x83: {  	_ =	shalt  }
0x84: {  	_ =	shalt  }
0x85: {  	_ =	shalt  }
0x86: {  	_ =	shalt  }
0x87: {  	_ =	shalt  }
.Lfunc_end0:
.L_simem_size_0:
called_computation.1_lowered:
.L_overlay_start_0:
0x88: {  	s2 =	sld [smem:$0x3FD9]  }
0x89: {  	s3 =	sld [smem:$0x3FFE];
	_ =	sdelay $0x1  }
0x8a: {  	s1 =	srdreg.scid  }
0x8b: {  	s0 =	sand.u32 $0x1, s1  }
0x8c: {  	s16 =	sshll.u32 s0, $0xA;
	s2 =	sadd.s32 s3, s2  }
0x8d: {  	s2 =	sadd.s32 s2, s16  }
0x8e: {  	[smem:$0x3FC4] =	sst s2  }
0x8f: {  	_ = 	snop  }
0x90: {  	(tm) =	ssettm $0x1  }
0x91: {  	s17 =	sld [smem:$0x3FFB];
	_ =	sdelay $0x3  }
0x92: {  	_ =	strace s17  }
0x93: {  	s2 =	sld [smem:$0x3FFC];
	_ =	sdelay $0x3  }
0x94: {  	_ =	strace s2  }
0x95: {  	s2 =	sld [smem:$0x3FFD];
	_ =	sdelay $0x3  }
0x96: {  	_ =	strace s2  }
0x97: {  	_ =	strace $0x8FFFFFFF  }
0x98: {  	s18 =	sld [smem:$0x3FDB];
	_ =	sdelay $0x1  }
0x99: {  	s19 =	simm.s32 $_scs_section_size  }
0x9a: {  	s4 =	simm.s32 $_size__tile_overlayer_lowered;
	s5 =	simm.s32 $_tile_overlayer_lowered  }
0x9b: {  	s22 =	simm.s32 $0x1BFF;
	s21 =	sshll.u32 s5, $0x1;
	s2 =	sadd.s32 s19, s18  }
0x9c: {  	s6 =	simm.s32 $0x0;
	s20 =	sshll.u32 s4, $0x1;
	s4 =	sadd.s32 s21, s2  }
0x9d: {  	[timem:s6], [sflag:s22] =	dma.local [hbm:s4], s20  }
0x9e: {  	_ =	swait.ge [sflag:s22], s20  }
0x9f: {  	s3 =	ssub.s32 $0x0, s20;
	[sflag:s22] =	ssyncset.done $0x0  }
0xa0: {  	[sflag:s22] =	ssyncadd.s32 s3;
	_ =	sdelay $0x1  }
0xa1: {  	s23 =	simm.s32 $0x1B8B  }
0xa2: {  	_ =	swait.ge [sflag:s23], $0x1  }
0xa3: {  	[sflag:s23] =	ssyncset.done $0x0  }
0xa4: {  	s25 =	simm.s32 $0x1B8E;
	s24 =	sld [smem:$0x3FFE];
	[sflag:s23] =	ssyncadd.s32 $0xFFFFFFFF  }
0xa5: {  	s26 =	simm.s32 $execute0_lowered;
	[smem:$0x3FD2] =	sst s25  }
0xa6: {  	s4 =	sshll.u32 s26, $0x1;
	_ =	strace $0x80000046;
	[dreg:$0x1] =	wrdreg $0xFFFFFFFF  }
0xa7: {  	s28 =	simm.s32 $_size_execute0_lowered;
	s2 =	sadd.s32 s2, s4;
	[dreg:$0x0] =	wrdreg $0x0  }
0xa8: {  	s4 =	sshll.u32 s28, $0x1;
	[dreg:$0x2] =	wrdreg s2  }
0xa9: {  	[dreg:$0x3] =	wrdreg s4  }
0xaa: {  	[dreg:$0x4] =	wrdreg $0xC0  }
0xab: {  	_ =	task [dreg:s6], $0x5FFFF  }
0xac: {  	[dreg:$0x1] =	wrdreg $0xFFFFFFFF  }
0xad: {  	[dreg:$0x0] =	wrdreg $0x60  }
0xae: {  	[dreg:$0x2] =	wrdreg s24  }
0xaf: {  	[dreg:$0x3] =	wrdreg $0x9  }
0xb0: {  	_ =	task.clear_ibuf [dreg:s6], $0x4FFFF;
	_ =	strace $0x90000046  }
0xb1: {  	s29 =	simm.s32 $0x9;
	_ =	strace $0x80000048  }
0xb2: {  	_ =	swait.ge [sflag:s29], $0x1  }
0xb3: {  	[sflag:s29] =	ssyncadd.s32 $0xFFFFFFFF  }
0xb4: {  	_ =	strace $0x90000048  }
0xb5: {  	_ =	sfence  }
0xb6: {  	s30 =	sld [smem:$0x0];
	_ =	sdelay $0x2  }
0xb7: {  	s31 =	sshll.u32 s1, $0xD;
	s1 =	sshrl.u32 s1, $0x2  }
0xb8: {  	s3 =	sand.u32 $0x4000, s31;
	s1 =	sadd.s32 s1, s30  }
0xb9: {  	s0 =	sor.u32 s3, s0;
	s1 =	sshll.u32 s1, $0x11  }
0xba: {  	s0 =	sor.u32 s1, s0  }
0xbb: {  	s0 =	sadd.s32 $0x8F2B, s0  }
0xbc: {  	[sflag:s0] =	ssyncadd.remote.s32 $0x1  }
0xbd: {  	_ =	sfence.sel $0xFFFF  }
0xbe: {  	[dreg:$0x0] =	wrdreg $0xFFFFFFFF;
	(pc) =	sbr.abs _section_cstart, $3  }
0xbf: {  	[dreg:$0x1] =	wrdreg $0xFFFFFFFF  }
0xc0: {  	_ =	task.clear_ibuf [dreg:s6], $0x2FFFF;
	_ =	strace $0x9FFFFFFF  }
0xc1: {  	(tm) =	ssettm $0x7FFFFFFF  }
tec
execute0_lowered:
.L_overlay_start_1:
0x0: {  	(tag) =	ssettag $0x1  }
0x1: {  	s0 =	srdreg.scid  }
0x2: {  	s2 =	sand.u32 $0x1, s0;
	s0 =	stileid.u32  }
0x3: {  	s4 =	sor.u32 s0, s2  }
0x4: {  	p0 =	sne.s32 s4, $0x0  }
.Ltmp0:
0x5: {  	_ = 	snop;
	(pc) =	sbr.rel @p0 .LBB2_3-.Ltmp0, $3  }
0x6: {  	_ =	sdelay $0x1  }
0x7: {  	s3 =	rddreg [dreg:$0x0]  }
0x8: {  	s1 =	rddreg [dreg:$0x1];
	_ =	strace $0x80000047  }
0x9: {  	s4 =	ssub.s32 $0x2, s2;
	s2 =	sadd.s32 $0xA00, s3  }
0xa: {  	s3 =	sadd.s32 $0xC00, s3;
	s6 =	simm.s32 $0x1;
	s5 =	sshrl.u32 s4, $0x1  }
0xb: {  	v0 =	vimm.f32 $0.0e+00;
	v1 =	vimm.f32 $1.000000000e+00;
	s7 =	simm.s32 $0x80;
	s4 =	ssub.s32 s4, s5;
	s5 =	simm.s32 $0x0  }
.LBB2_2:
0xc: {  	[tilespmem:s5], [sflag:$0x1] =	stream.linear.gather [hbm4b:s2+s5], $0x80, $0x38;
	[tilespmem:$0x400] =	vst v63  }
0xd: {  	_ =	swait.ge [sflag:s6], $0x80  }
0xe: {  	[sflag:s6] =	ssyncset.done $0x0  }
0xf: {  	[sflag:s6] =	ssyncadd.s32 $0xFFFFFF80  }
0x10: {  	[tilespmem:$0x80] =	vst v0  }
0x11: {  	[tilespmem:$0x90] =	vst v0  }
0x12: {  	[tilespmem:$0xA0] =	vst v0  }
0x13: {  	[tilespmem:$0xB0] =	vst v0  }
0x14: {  	[tilespmem:$0xC0] =	vst v0  }
0x15: {  	[tilespmem:$0xD0] =	vst v0  }
0x16: {  	[tilespmem:$0xE0] =	vst v0  }
0x17: {  	[tilespmem:$0xF0] =	vst v0  }
0x18: {  	[tilespmem:$0x100] =	vst v0  }
0x19: {  	[tilespmem:$0x110] =	vst v0  }
0x1a: {  	[tilespmem:$0x120] =	vst v0  }
0x1b: {  	[tilespmem:$0x130] =	vst v0  }
0x1c: {  	[tilespmem:$0x140] =	vst v0  }
0x1d: {  	[tilespmem:$0x150] =	vst v0  }
0x1e: {  	[tilespmem:$0x160] =	vst v0  }
0x1f: {  	[tilespmem:$0x170] =	vst v0  }
0x20: {  	[tilespmem:$0x180] =	vst v0  }
0x21: {  	[tilespmem:$0x190] =	vst v0  }
0x22: {  	[tilespmem:$0x1A0] =	vst v0  }
0x23: {  	[tilespmem:$0x1B0] =	vst v0  }
0x24: {  	[tilespmem:$0x1C0] =	vst v0  }
0x25: {  	[tilespmem:$0x1D0] =	vst v0  }
0x26: {  	[tilespmem:$0x1E0] =	vst v0  }
0x27: {  	[tilespmem:$0x1F0] =	vst v0  }
0x28: {  	[tilespmem:$0x200] =	vst v0  }
0x29: {  	[tilespmem:$0x210] =	vst v0  }
0x2a: {  	[tilespmem:$0x220] =	vst v0  }
0x2b: {  	[tilespmem:$0x230] =	vst v0  }
0x2c: {  	[tilespmem:$0x240] =	vst v0  }
0x2d: {  	[tilespmem:$0x250] =	vst v0  }
0x2e: {  	[tilespmem:$0x260] =	vst v0  }
0x2f: {  	[tilespmem:$0x270] =	vst v0  }
0x30: {  	[tilespmem:$0x280] =	vst v0  }
0x31: {  	[tilespmem:$0x290] =	vst v0  }
0x32: {  	[tilespmem:$0x2A0] =	vst v0  }
0x33: {  	[tilespmem:$0x2B0] =	vst v0  }
0x34: {  	[tilespmem:$0x2C0] =	vst v0  }
0x35: {  	[tilespmem:$0x2D0] =	vst v0  }
0x36: {  	[tilespmem:$0x2E0] =	vst v0  }
0x37: {  	[tilespmem:$0x2F0] =	vst v0;
	v2 =	vld [tilespmem:$0x30]  }
0x38: {  	[tilespmem:$0x300] =	vst v0;
	v3 =	vld [tilespmem:$0x0]  }
0x39: {  	[tilespmem:$0x310] =	vst v0  }
0x3a: {  	[tilespmem:$0x320] =	vst v0  }
0x3b: {  	[tilespmem:$0x330] =	vst v0  }
0x3c: {  	[tilespmem:$0x340] =	vst v0;
	v2 =	vshll.u32 v2, $0x5  }
0x3d: {  	[tilespmem:$0x350] =	vst v0;
	v2 =	vadd.s32 v3, v2  }
0x3e: {  	[tilespmem:$0x360] =	vst v0  }
0x3f: {  	[tilespmem:$0x370] =	vst v0  }
0x40: {  	[tilespmem:$0x380] =	vst v0  }
0x41: {  	[tilespmem:$0x390] =	vst v0  }
0x42: {  	[tilespmem:v2+s7+$0x0] =	vst.idx.msk $0xffff, v1  }
0x43: {  	v2 =	vld [tilespmem:$0x40]  }
0x44: {  	v3 =	vld [tilespmem:$0x10];
	_ =	sdelay $0x3  }
0x45: {  	v2 =	vshll.u32 v2, $0x5  }
0x46: {  	v2 =	vadd.s32 v3, v2;
	_ =	sdelay $0x4  }
0x47: {  	[tilespmem:v2+s7+$0x0] =	vst.idx.msk $0xffff, v1  }
0x48: {  	v2 =	vld [tilespmem:$0x50]  }
0x49: {  	v3 =	vld [tilespmem:$0x20];
	_ =	sdelay $0x3  }
0x4a: {  	v2 =	vshll.u32 v2, $0x5  }
0x4b: {  	v2 =	vadd.s32 v3, v2;
	_ =	sdelay $0x3  }
0x4c: {  	p0 =	sne.s32 s4, $0x1  }
.Ltmp1:
0x4d: {  	[tilespmem:v2+s7+$0x0] =	vst.idx.msk $0xffff, v1;
	(pc) =	sbr.rel @p0 .LBB2_2-.Ltmp1, $4  }
0x4e: {  	[hbm4b:s3+s5] =	stream.linear.scatter [tilespmem:s7], [sflag:$0x1], $0x380, $0x38;
	[tilespmem:$0x400] =	vst v63  }
0x4f: {  	_ =	swait.ge [sflag:s6], $0x380  }
0x50: {  	[sflag:s6] =	ssyncset.done $0x0  }
0x51: {  	s4 =	sadd.s32 $0xFFFFFFFF, s4;
	[sflag:s6] =	ssyncadd.s32 $0xFFFFFC80  }
.LBB2_3:
0x52: {  	_ =	sfence.sel $0x180000  }
0x53: {  	[bflag:$0x0] =	sbarrier.arrive $0xFFFF  }
0x54: {  	p0 =	sne.s32 s0, $0x0;
	_ =	strace $0x90000047  }
0x55: {  	s0 =	sadd.s32 @!p0 $0x100000, s1;
	[bflag:$0x2] =	sbarrier.arrive $0xFFFF  }
0x56: {  	[sflag:s0] =	ssyncadd.tile.s32 @!p0 $0x1;
	_ =	shalt  }
.Lfunc_end2:
_tile_overlayer_lowered:
.L_overlay_start_2:
0x57: {  	(tag) =	ssettag $0x2  }
0x58: {  	s0 =	rddreg [dreg:$0x0];
	s2 =	stileid.u32  }
0x59: {  	s1 =	rddreg [dreg:$0x1];
	p0 =	sne.s32 s2, $0x0  }
0x5a: {  	s3 =	rddreg [dreg:$0x2];
	[bflag:$0x3] =	sbarrier.arrive $0xFFFF;
	s2 =	simm.s32 @!p0 $0x1C01  }
0x5b: {  	[timem:s3], [sflag:s2] =	dma.local @!p0 [hbm:s0], s1  }
0x5c: {  	s0 =	simm.s32 @!p0 $0x1  }
0x5d: {  	_ =	swait.ge @!p0 [sflag:s0], s1  }
0x5e: {  	s1 =	ssub.s32 @!p0 $0x0, s1;
	[sflag:s0] =	ssyncset.done @!p0 $0x0  }
0x5f: {  	[sflag:s0] =	ssyncadd.s32 @!p0 s1  }
0x60: {  	[bflag:$0x3] =	sbarrier.arrive $0xFFFF  }
0x61: {  	_ =	shalt  }

// kernel: sparse-core-data-format-call.cloned.1.call-start
scs
called_computation_lowered:
.L_overlay_start_0:
0x0: {  	s2 =	sld [smem:$0x3FD9]  }
0x1: {  	s3 =	sld [smem:$0x3FFE];
	_ =	sdelay $0x1  }
0x2: {  	s1 =	srdreg.scid  }
0x3: {  	s0 =	sand.u32 $0x1, s1  }
0x4: {  	s18 =	sshll.u32 s0, $0xA;
	s2 =	sadd.s32 s3, s2  }
0x5: {  	s2 =	sadd.s32 s2, s18  }
0x6: {  	[smem:$0x3FC4] =	sst s2  }
0x7: {  	_ = 	snop  }
0x8: {  	s2 =	sld [smem:$0x3FD0];
	(tm) =	ssettm $0x1  }
0x9: {  	s19 =	sld [smem:$0x3FFB];
	_ =	sdelay $0x3  }
0xa: {  	_ =	strace s19  }
0xb: {  	s3 =	sld [smem:$0x3FFC];
	_ =	sdelay $0x3  }
0xc: {  	_ =	strace s3  }
0xd: {  	s3 =	sld [smem:$0x3FFD];
	_ =	sdelay $0x3  }
0xe: {  	_ =	strace s3  }
0xf: {  	_ =	strace $0x8FFFFFFF  }
0x10: {  	s20 =	sld [smem:$0x3FDB];
	_ =	sdelay $0x1  }
0x11: {  	s4 =	simm.s32 $_scs_section_size  }
0x12: {  	s5 =	simm.s32 $_size__tile_overlayer_lowered;
	s6 =	simm.s32 $_tile_overlayer_lowered  }
0x13: {  	s23 =	simm.s32 $0x1BFF;
	s22 =	sshll.u32 s6, $0x1;
	s3 =	sadd.s32 s4, s20  }
0x14: {  	s7 =	simm.s32 $0x0;
	s21 =	sshll.u32 s5, $0x1;
	s5 =	sadd.s32 s22, s3  }
0x15: {  	[timem:s7], [sflag:s23] =	dma.local [hbm:s5], s21  }
0x16: {  	_ =	swait.ge [sflag:s23], s21  }
0x17: {  	s4 =	ssub.s32 $0x0, s21;
	[sflag:s23] =	ssyncset.done $0x0  }
0x18: {  	[sflag:s23] =	ssyncadd.s32 s4;
	_ =	sdelay $0x1  }
0x19: {  	s24 =	simm.s32 $0x1B8B  }
0x1a: {  	_ =	swait.ge [sflag:s24], $0x1  }
0x1b: {  	[sflag:s24] =	ssyncset.done $0x0  }
0x1c: {  	s26 =	simm.s32 $0x1B8E;
	s25 =	sld [smem:$0x3FFE];
	[sflag:s24] =	ssyncadd.s32 $0xFFFFFFFF  }
0x1d: {  	s27 =	simm.s32 $execute0_lowered;
	[smem:$0x3FD2] =	sst s26  }
0x1e: {  	s5 =	sshll.u32 s27, $0x1;
	_ =	strace $0x80000049;
	[dreg:$0x1] =	wrdreg $0xFFFFFFFF  }
0x1f: {  	s28 =	simm.s32 $_size_execute0_lowered;
	s3 =	sadd.s32 s3, s5;
	[dreg:$0x0] =	wrdreg $0x0  }
0x20: {  	s5 =	sshll.u32 s28, $0x1;
	[dreg:$0x2] =	wrdreg s3  }
0x21: {  	[dreg:$0x3] =	wrdreg s5  }
0x22: {  	[dreg:$0x4] =	wrdreg $0xC0  }
0x23: {  	_ =	task [dreg:s7], $0x5FFFF  }
0x24: {  	[dreg:$0x1] =	wrdreg $0xFFFFFFFF  }
0x25: {  	[dreg:$0x0] =	wrdreg $0x60  }
0x26: {  	[dreg:$0x2] =	wrdreg s25  }
0x27: {  	[dreg:$0x3] =	wrdreg s2  }
0x28: {  	[dreg:$0x4] =	wrdreg $0x9  }
0x29: {  	_ =	task.clear_ibuf [dreg:s7], $0x5FFFF;
	_ =	strace $0x90000049  }
0x2a: {  	s29 =	simm.s32 $0x9;
	_ =	strace $0x8000004B  }
0x2b: {  	_ =	swait.ge [sflag:s29], $0x1  }
0x2c: {  	[sflag:s29] =	ssyncadd.s32 $0xFFFFFFFF  }
0x2d: {  	_ =	strace $0x9000004B  }
0x2e: {  	_ =	sfence  }
0x2f: {  	s30 =	sld [smem:$0x0];
	_ =	sdelay $0x2  }
0x30: {  	s31 =	sshll.u32 s1, $0xD;
	s1 =	sshrl.u32 s1, $0x2  }
0x31: {  	s3 =	sand.u32 $0x4000, s31;
	s1 =	sadd.s32 s1, s30  }
0x32: {  	s0 =	sor.u32 s3, s0;
	s1 =	sshll.u32 s1, $0x11  }
0x33: {  	s0 =	sor.u32 s1, s0  }
0x34: {  	s0 =	sadd.s32 $0x8F2B, s0  }
0x35: {  	[sflag:s0] =	ssyncadd.remote.s32 $0x1  }
0x36: {  	_ =	sfence.sel $0xFFFF  }
0x37: {  	[dreg:$0x0] =	wrdreg $0xFFFFFFFF;
	(pc) =	sbr.abs _section_cstart, $3  }
0x38: {  	[dreg:$0x1] =	wrdreg $0xFFFFFFFF  }
0x39: {  	_ =	task.clear_ibuf [dreg:s7], $0x2FFFF;
	_ =	strace $0x9FFFFFFF  }
0x3a: {  	(tm) =	ssettm $0x7FFFFFFF  }
0x3b: {  	_ =	shalt  }
tec
execute0_lowered:
.L_overlay_start_1:
0x0: {  	(tag) =	ssettag $0x1  }
0x1: {  	s1 =	rddreg [dreg:$0x0]  }
0x2: {  	s2 =	rddreg [dreg:$0x1]  }
0x3: {  	s0 =	rddreg [dreg:$0x2];
	_ =	strace $0x8000004A;
	s4 =	srdreg.scid  }
0x4: {  	s6 =	simm.s32 $0x2;
	s11 =	simm.s32 $0x0;
	p0 =	por $0x0, $0x0  }
.Ltmp0:
0x5: {  	s12 =	simm.s32 $0x0;
	s10 =	simm.s32 $0x0;
	(pc) =	sbr.rel .LBB1_1-.Ltmp0, $4  }
0x6: {  	s8 =	simm.s32 $0x0;
	s3 =	sadd.s32 $0x200A00, s1;
	s5 =	sshll.u32 s4, $0x4  }
0x7: {  	s1 =	stileid.u32;
	s4 =	simm.s32 $0x1;
	s5 =	sand.u32 $0x10, s5  }
0x8: {  	s9 =	simm.s32 $0x0;
	[sflag:s4] =	ssyncpa.u1 $0x0;
	s5 =	sor.u32 s1, s5  }
0x9: {  	[sflag:s6] =	ssyncpa.u1 $0x0;
	s6 =	simm.s32 $0x0;
	s7 =	smov.u32 s5  }
.LBB1_5:
0xa: {  	s13 =	sadd.s32 $0x20, s7  }
0xb: {  	s10 =	simm.s32 $0x1;
	p2 =	sgt.s32 s13, $0x3F  }
0xc: {  	s10 =	simm.s32 @!p2 $0x0  }
0xd: {  	s14 =	sadd.s32 s10, s8  }
0xe: {  	s16 =	smov.u32 s9;
	s10 =	sadd.s32 $0x80, s9;
	p3 =	sgt.s32 s14, $0x18  }
0xf: {  	p1 =	slt.u32 s6, $0x2;
	s16 =	smov.u32 @p3 s10  }
0x10: {  	s6 =	sadd.s32 $0x1, s6;
	s13 =	smov.u32 @p2 s5;
	p2 =	sgt.s32 s16, $0x7F  }
0x11: {  	s16 =	simm.s32 @p2 $0x0;
	p2 =	sne.s32 s6, $0x34  }
.Ltmp1:
0x12: {  	s15 =	simm.s32 @!p1 $0x2;
	(pc) =	sbr.rel @!p2 .LBB1_6-.Ltmp1, $4  }
0x13: {  	s11 =	smov.u32 s7;
	_ =	swait.ge @!p1 [sflag:s15], $0x2000  }
0x14: {  	s12 =	smov.u32 s8;
	p0 =	por !p0, !p0;
	[sflag:s15] =	ssyncset.done @!p1 $0x0  }
0x15: {  	s7 =	smov.u32 s13;
	[sflag:s15] =	ssyncadd.s32 @!p1 $0xFFFFE000;
	s14 =	simm.s32 @p3 $0x0  }
0x16: {  	s10 =	smov.u32 s9;
	s8 =	smov.u32 s14;
	s9 =	smov.u32 s16  }
.LBB1_1:
0x17: {  	p1 =	sgt.u32 s6, $0x31  }
0x18: {  	s14 =	smul.u32 @!p1 $0x6400, s9  }
0x19: {  	s13 =	sxor.u32 @!p1 $0xFFFFFFFF, s6;
	s15 =	sshll.u32 @!p1 s8, $0xA  }
0x1a: {  	s16 =	sshll.u32 @!p1 s7, $0x4;
	s13 =	sshll.u32 @!p1 s13, $0xD;
	s14 =	sadd.s32 @!p1 s3, s14  }
0x1b: {  	s16 =	sand.u32 @!p1 $0x3F0, s16;
	s13 =	sand.u32 @!p1 $0x2000, s13;
	s14 =	sadd.s32 @!p1 s15, s14  }
0x1c: {  	s15 =	simm.s32 @!p1 $0x40;
	s14 =	sadd.s32 @!p1 s16, s14;
	s16 =	simm.s32 @!p1 $0x32000  }
0x1d: {  	[tilespmem:s13], [sflag:$0x1] =	stream.strided.gather @!p1 [hbm4b:s14+s15], $0x2000, s16, s15, $0x38;
	[tilespmem:$0x8080] =	vst v63  }
0x1e: {  	p1 =	seq.s32 s6, $0x0  }
0x1f: {  	p2 =	seq.s32 @!p1 s6, $0x33  }
0x20: {  	p1 =	por p1, p2  }
.Ltmp2:
0x21: {  	_ = 	snop;
	(pc) =	sbr.rel @p1 .LBB1_5-.Ltmp2, $1  }
0x22: {  	_ =	sdelay $0x3  }
0x23: {  	s13 =	simm.s32 $0x1  }
0x24: {  	_ =	swait.ge [sflag:s4], $0x2000;
	s13 =	simm.s32 @!p0 $0x0  }
0x25: {  	[sflag:s4] =	ssyncset.done $0x0;
	s14 =	sshll.u32 s13, $0xD  }
0x26: {  	[sflag:s4] =	ssyncadd.s32 $0xFFFFE000;
	s17 =	sor.u32 $0x20, s14  }
0x27: {  	s13 =	smul.u32 $0x8100, s13;
	v3 =	vld [tilespmem:s17+$0x10]  }
0x28: {  	s30 =	sand.u32 $0x1, s6;
	v2 =	vld [tilespmem:s17+$0xFFFFFFF0]  }
0x29: {  	s14 =	smul.u32 $0x8100, s30;
	s13 =	sshrl.u32 s13, $0x2;
	v0 =	vld [tilespmem:s17+$0x0]  }
0x2a: {  	v1 =	vld [tilespmem:s17+$0xFFFFFFE0];
	s15 =	sor.u32 $0x4000, s13  }
0x2b: {  	s31 =	sshrl.u32 s14, $0x2;
	s14 =	sadd.s32 $0x0, s15  }
0x2c: {  	s16 =	simm.s32 $0x4;
	s17 =	sadd.s32 $0x40, s17;
	s13 =	sor.u32 $0x4000, s31;
	[tilespmem:s14+$0x1830 ss:$0x81] =	vst.msk $0xffff, v3  }
.LBB1_3:
0x2d: {  	v3 =	vld [tilespmem:s17+$0x10];
	p1 =	sne.s32 s16, $0x1FC;
	[tilespmem:s14+$0x810 ss:$0x81] =	vst.msk $0xffff, v2;
	s18 =	smov.u32 s16;
	s16 =	sadd.s32 $0x4, s16  }
.Ltmp3:
0x2e: {  	v2 =	vld [tilespmem:s17+$0xFFFFFFF0];
	[tilespmem:s14+$0x1020 ss:$0x81] =	vst.msk $0xffff, v0;
	(pc) =	sbr.rel @p1 .LBB1_3-.Ltmp3, $4  }
0x2f: {  	v0 =	vld [tilespmem:s17+$0x0];
	[tilespmem:s14+$0x0 ss:$0x81] =	vst.msk $0xffff, v1  }
0x30: {  	s14 =	sshra.s32 s18, $0x2;
	v1 =	vld [tilespmem:s17+$0xFFFFFFE0]  }
0x31: {  	s14 =	sadd.s32 s14, s15  }
0x32: {  	s17 =	sadd.s32 $0x40, s17;
	[tilespmem:s14+$0x1830 ss:$0x81] =	vst.msk $0xffff, v3  }
0x33: {  	s15 =	sand.u32 $0x380, s10;
	s12 =	sshll.u32 s12, $0xA  }
.Ltmp4:
0x34: {  	s16 =	sshrl.u32 s10, $0x3;
	s15 =	sadd.s32 s2, s15;
	(pc) =	sbr.rel .LBB1_5-.Ltmp4, $4  }
0x35: {  	[tilespmem:s14+$0x810 ss:$0x81] =	vst.msk $0xffff, v2;
	s11 =	smul.u32 $0x6400, s11;
	s16 =	sand.u32 $0xF, s16;
	s12 =	sadd.s32 s12, s15  }
0x36: {  	[tilespmem:s14+$0x1020 ss:$0x81] =	vst.msk $0xffff, v0;
	s12 =	sadd.s32 s16, s12  }
0x37: {  	s31 =	sand.u32 $0x7, s10;
	[tilespmem:s14+$0x0 ss:$0x81] =	vst.msk $0xffff, v1;
	s11 =	sadd.s32 s11, s12  }
0x38: {  	[hbm4b:s11+s31] =	stream.linear.scatter [tilespmem:s13], [sflag:$0x2], $0x2000, $0x20;
	[tilespmem:$0x8080] =	vst v63  }
.LBB1_6:
0x39: {  	_ =	sfence.sel $0x180000  }
0x3a: {  	s2 =	simm.s32 $0x1;
	[bflag:$0x0] =	sbarrier.arrive $0xFFFF  }
0x3b: {  	s31 =	simm.s32 $0x2;
	[sflag:s2] =	ssyncpa.u1 $0x1  }
0x3c: {  	[sflag:s31] =	ssyncpa.u1 $0x1  }
0x3d: {  	p0 =	sne.s32 s1, $0x0;
	_ =	strace $0x9000004A  }
0x3e: {  	s0 =	sadd.s32 @!p0 $0x100000, s0;
	[bflag:$0x2] =	sbarrier.arrive $0xFFFF  }
0x3f: {  	[sflag:s0] =	ssyncadd.tile.s32 @!p0 $0x1;
	_ =	shalt  }
.Lfunc_end1:
_tile_overlayer_lowered:
.L_overlay_start_2:
0x40: {  	(tag) =	ssettag $0x2  }
0x41: {  	s0 =	rddreg [dreg:$0x0];
	s2 =	stileid.u32  }
0x42: {  	s1 =	rddreg [dreg:$0x1];
	p0 =	sne.s32 s2, $0x0  }
0x43: {  	s3 =	rddreg [dreg:$0x2];
	[bflag:$0x3] =	sbarrier.arrive $0xFFFF;
	s2 =	simm.s32 @!p0 $0x1C01  }
0x44: {  	[timem:s3], [sflag:s2] =	dma.local @!p0 [hbm:s0], s1  }
0x45: {  	s0 =	simm.s32 @!p0 $0x1  }
0x46: {  	_ =	swait.ge @!p0 [sflag:s0], s1  }
0x47: {  	s1 =	ssub.s32 @!p0 $0x0, s1;
	[sflag:s0] =	ssyncset.done @!p0 $0x0  }
0x48: {  	[sflag:s0] =	ssyncadd.s32 @!p0 s1  }
0x49: {  	[bflag:$0x3] =	sbarrier.arrive $0xFFFF  }
0x4a: {  	_ =	shalt  }

</sc_bundles>
